<compile_context>
chip_gen: v7x
topology: tpu7x:2x2x1
jax: 0.10.2.dev20260603
libtpu: 0.0.44.dev20260713+nightly
codegen_flags: <defaults>
</compile_context>

<pallas_src>
import functools

import jax
import jax.numpy as jnp
from jax import lax
from jax.experimental import pallas as pl
from jax.experimental.pallas import tpu as pltpu
from jax.experimental.pallas import tpu_sc as plsc

N = 10000
IN_CH = 128
HID_CH = 256
OUT_CH = 128

NPAD = 10240
E_RAW = 320000 + N
CHUNK = 128
N_TILES = 16
EPAD = 335872
PER_TILE = EPAD // N_TILES
CHUNKS_PER_TILE = PER_TILE // CHUNK
ROWS_PER_TILE = NPAD // N_TILES
RB = 1024
N_RB = NPAD // RB


def _sc_agg_body(edge_split, skip_gather, table, idt, zeros, out, acc,
                 idt0, idt1, idt2, idt3, rows_a, rows_b, gsem, ssem_a, ssem_b,
                 lsem0, lsem1, lsem2, lsem3):
    c = lax.axis_index("c")
    s = lax.axis_index("s")
    idts = [idt0, idt1, idt2, idt3]
    lsems = [lsem0, lsem1, lsem2, lsem3]

    r0 = s * ROWS_PER_TILE
    pltpu.sync_copy(zeros.at[pl.ds(r0, ROWS_PER_TILE)],
                    acc.at[pl.ds(r0, ROWS_PER_TILE)])

    if edge_split:
        n_chunks = CHUNKS_PER_TILE // 2
    else:
        n_chunks = CHUNKS_PER_TILE
        cchunk = c * (EPAD // CHUNK)

    if skip_gather:
        pltpu.async_copy(table.at[pl.ds(0, CHUNK)], rows_a, gsem).wait()

    def idt_start(j, q):
        if edge_split:
            off = ((s * n_chunks + j) * 2 + c) * (2 * CHUNK)
        else:
            off = (cchunk + s * n_chunks + j) * (2 * CHUNK)
        pltpu.async_copy(idt.at[pl.ds(off, 2 * CHUNK)], idts[q], lsems[q])

    def idt_wait(q):
        pltpu.make_async_copy(idt.at[pl.ds(0, 2 * CHUNK)], idts[q],
                              lsems[q]).wait()

    def scatter_wait(sem):
        pltpu.make_async_copy(rows_a, acc.at[idt0.at[pl.ds(CHUNK, CHUNK)]],
                              sem).wait()

    idt_start(0, 0)
    idt_start(1, 1)
    plsc.subcore_barrier()

    def block(j, q, buf, sem, first=False):
        if not first:
            scatter_wait(sem)
        idt_wait(q)
        if not skip_gather:
            pltpu.async_copy(table.at[idts[q].at[pl.ds(0, CHUNK)]], buf,
                             gsem).wait()
        else:
            buf = rows_a
        idt_start(jnp.minimum(j + 2, n_chunks - 1), (q + 2) % 4)
        pltpu.async_copy(buf, acc.at[idts[q].at[pl.ds(CHUNK, CHUNK)]],
                         sem, add=True)

    block(0, 0, rows_a, ssem_a, first=True)
    block(1, 1, rows_b, ssem_b, first=True)
    block(2, 2, rows_a, ssem_a)
    block(3, 3, rows_b, ssem_b)

    def group(p, carry):
        base = 4 * p
        block(base, 0, rows_a, ssem_a)
        block(base + 1, 1, rows_b, ssem_b)
        block(base + 2, 2, rows_a, ssem_a)
        block(base + 3, 3, rows_b, ssem_b)
        return carry

    lax.fori_loop(1, n_chunks // 4, group, 0)
    for j in range(n_chunks - (n_chunks % 4), n_chunks):
        block(j, j % 4, rows_a if j % 2 == 0 else rows_b,
              ssem_a if j % 2 == 0 else ssem_b)
    scatter_wait(ssem_a)
    scatter_wait(ssem_b)
    for q in (n_chunks % 4, (n_chunks + 1) % 4):
        idt_wait(q)
    plsc.subcore_barrier()

    pltpu.sync_copy(acc.at[pl.ds(r0, ROWS_PER_TILE)],
                    out.at[pl.ds(c * NPAD + r0, ROWS_PER_TILE)])


@functools.partial(jax.jit, static_argnums=(0, 1, 2))
def _sc_agg(h, edge_split, skip_gather, table, idt):
    zeros = jnp.zeros((NPAD, h), jnp.float32)
    mesh = plsc.VectorSubcoreMesh(core_axis_name="c", subcore_axis_name="s")
    return pl.kernel(
        functools.partial(_sc_agg_body, edge_split, skip_gather),
        out_type=jax.ShapeDtypeStruct((2 * NPAD, h), jnp.float32),
        mesh=mesh,
        scratch_types=[
            pltpu.VMEM_SHARED((NPAD, h), jnp.float32),
            pltpu.VMEM((2 * CHUNK,), jnp.int32),
            pltpu.VMEM((2 * CHUNK,), jnp.int32),
            pltpu.VMEM((2 * CHUNK,), jnp.int32),
            pltpu.VMEM((2 * CHUNK,), jnp.int32),
            pltpu.VMEM((CHUNK, h), jnp.float32),
            pltpu.VMEM((CHUNK, h), jnp.float32),
            pltpu.SemaphoreType.DMA,
            pltpu.SemaphoreType.DMA,
            pltpu.SemaphoreType.DMA,
            pltpu.SemaphoreType.DMA,
            pltpu.SemaphoreType.DMA,
            pltpu.SemaphoreType.DMA,
            pltpu.SemaphoreType.DMA,
        ],
    )(table, idt, zeros)


def _tc_first_body(x_ref, deg_ref, w_ref, o_ref):
    dinv = lax.rsqrt(jnp.maximum(deg_ref[...], 1.0))
    t = x_ref[...] * dinv
    o_ref[...] = jnp.dot(t, w_ref[...], preferred_element_type=jnp.float32)


def _tc_first(x_pad, deg, w1):
    return pl.pallas_call(
        _tc_first_body,
        grid=(2, N_RB),
        in_specs=[
            pl.BlockSpec((RB, IN_CH), lambda c, i: (i, 0)),
            pl.BlockSpec((RB, 1), lambda c, i: (i, 0)),
            pl.BlockSpec((IN_CH, HID_CH // 2), lambda c, i: (0, c)),
        ],
        out_specs=pl.BlockSpec((RB, HID_CH // 2), lambda c, i: (c * N_RB + i, 0)),
        out_shape=jax.ShapeDtypeStruct((2 * NPAD, HID_CH // 2), jnp.float32),
    )(x_pad, deg, w1)


def _tc_mid_body(lo_ref, hi_ref, deg_ref, b_ref, w_ref, o_ref):
    dinv = lax.rsqrt(jnp.maximum(deg_ref[...], 1.0))
    s = jnp.concatenate([lo_ref[...], hi_ref[...]], axis=1)
    u = jnp.maximum(s * dinv + b_ref[...], 0.0)
    t = u * dinv
    o_ref[...] = jnp.dot(t, w_ref[...], preferred_element_type=jnp.float32)


def _tc_mid(s_cat, deg, b, w):
    h = HID_CH // 2
    return pl.pallas_call(
        _tc_mid_body,
        grid=(2, N_RB),
        in_specs=[
            pl.BlockSpec((RB, h), lambda c, i: (i, 0)),
            pl.BlockSpec((RB, h), lambda c, i: (N_RB + i, 0)),
            pl.BlockSpec((RB, 1), lambda c, i: (i, 0)),
            pl.BlockSpec((1, HID_CH), lambda c, i: (0, 0)),
            pl.BlockSpec((HID_CH, h), lambda c, i: (0, c)),
        ],
        out_specs=pl.BlockSpec((RB, h), lambda c, i: (c * N_RB + i, 0)),
        out_shape=jax.ShapeDtypeStruct((2 * NPAD, h), jnp.float32),
    )(s_cat, s_cat, deg, b.reshape(1, -1), w)


def _tc_mid_full(s_cat, deg, b, w):
    h = HID_CH // 2
    return pl.pallas_call(
        _tc_mid_body,
        grid=(N_RB,),
        in_specs=[
            pl.BlockSpec((RB, h), lambda i: (i, 0)),
            pl.BlockSpec((RB, h), lambda i: (N_RB + i, 0)),
            pl.BlockSpec((RB, 1), lambda i: (i, 0)),
            pl.BlockSpec((1, HID_CH), lambda i: (0, 0)),
            pl.BlockSpec((HID_CH, OUT_CH), lambda i: (0, 0)),
        ],
        out_specs=pl.BlockSpec((RB, OUT_CH), lambda i: (i, 0)),
        out_shape=jax.ShapeDtypeStruct((NPAD, OUT_CH), jnp.float32),
    )(s_cat, s_cat, deg, b.reshape(1, -1), w)


def _tc_sum2_body(p0_ref, p1_ref, o_ref):
    o_ref[...] = p0_ref[...] + p1_ref[...]


def _tc_sum2(parts):
    return pl.pallas_call(
        _tc_sum2_body,
        grid=(N_RB,),
        in_specs=[
            pl.BlockSpec((RB, OUT_CH), lambda i: (i, 0)),
            pl.BlockSpec((RB, OUT_CH), lambda i: (N_RB + i, 0)),
        ],
        out_specs=pl.BlockSpec((RB, OUT_CH), lambda i: (i, 0)),
        out_shape=jax.ShapeDtypeStruct((NPAD, OUT_CH), jnp.float32),
    )(parts, parts)


def _tc_last_body(p0_ref, p1_ref, deg_ref, b_ref, o_ref):
    dinv = lax.rsqrt(jnp.maximum(deg_ref[...], 1.0))
    s = p0_ref[...] + p1_ref[...]
    o_ref[...] = jnp.maximum(s * dinv + b_ref[...], 0.0)


def _tc_last(s_part, deg, b):
    return pl.pallas_call(
        _tc_last_body,
        grid=(N_RB,),
        in_specs=[
            pl.BlockSpec((RB, OUT_CH), lambda i: (i, 0)),
            pl.BlockSpec((RB, OUT_CH), lambda i: (N_RB + i, 0)),
            pl.BlockSpec((RB, 1), lambda i: (i, 0)),
            pl.BlockSpec((1, OUT_CH), lambda i: (0, 0)),
        ],
        out_specs=pl.BlockSpec((RB, OUT_CH), lambda i: (i, 0)),
        out_shape=jax.ShapeDtypeStruct((NPAD, OUT_CH), jnp.float32),
    )(s_part, s_part, deg, b.reshape(1, -1))


def kernel(x, edge_index, W1, b1, W2, b2, W3, b3, W4, b4, W5, b5):
    ei = edge_index.astype(jnp.int32)
    loops = jnp.arange(N, dtype=jnp.int32)
    src = jnp.concatenate([ei[0], loops])
    dst = jnp.concatenate([ei[1], loops])
    pad = EPAD - E_RAW
    src_p = jnp.concatenate([src, jnp.zeros((pad,), jnp.int32)])
    dst_p = jnp.concatenate([dst, jnp.full((pad,), N, jnp.int32)])
    src2 = jnp.concatenate([src_p, src_p + NPAD])

    nck = EPAD // CHUNK
    idt_ch = jnp.concatenate(
        [src2.reshape(2, nck, 1, CHUNK),
         jnp.broadcast_to(dst_p.reshape(1, nck, 1, CHUNK), (2, nck, 1, CHUNK))],
        axis=2).reshape(-1)
    idt_e = jnp.concatenate(
        [src_p.reshape(nck, 1, CHUNK), dst_p.reshape(nck, 1, CHUNK)],
        axis=1).reshape(-1)

    x_pad = jnp.zeros((NPAD, IN_CH), jnp.float32).at[:N].set(x)

    ones = jnp.ones((NPAD, 128), jnp.float32)
    deg_p = _sc_agg(128, True, True, ones, idt_e)
    deg = _tc_sum2(deg_p)[:, 0:1]

    g = _tc_first(x_pad, deg, W1)
    for wn, bn in ((W2, b1), (W3, b2), (W4, b3)):
        s_cat = _sc_agg(HID_CH // 2, False, False, g, idt_ch)
        g = _tc_mid(s_cat, deg, bn, wn)
    s_cat = _sc_agg(HID_CH // 2, False, False, g, idt_ch)
    g = _tc_mid_full(s_cat, deg, b4, W5)
    s_part = _sc_agg(OUT_CH, True, False, g, idt_e)
    out = _tc_last(s_part, deg, b5)
    return out[:N]

# --- scband reference (transcript-rebuilt; emitter-appended) ---
"""Pipeline reference for scband-gcn-429496730133 (READ-ONLY COPY).

The authoritative reference and input builder live on the scoring server;
editing this copy changes nothing except your own understanding.
"""

import jax, jax.numpy as jnp
import numpy as np

N_NODES = 10000
N_EDGES = 320000
IN_CH = 128
HID_CH = 256
OUT_CH = 128


def _glorot(key, shape):
    lim = float(np.sqrt(6.0 / (shape[0] + shape[1])))
    return jax.random.uniform(key, shape, jnp.float32, -lim, lim)


def setup_inputs(seed: int = 0) -> dict:
    key = jax.random.key(seed)
    ks = jax.random.split(key, 12)
    x = jax.random.normal(ks[0], (N_NODES, IN_CH), dtype=jnp.float32)
    edge_index = jax.random.randint(ks[1], (2, N_EDGES), 0, N_NODES, dtype=jnp.int64)
    dims = [(IN_CH, HID_CH), (HID_CH, HID_CH), (HID_CH, HID_CH), (HID_CH, HID_CH), (HID_CH, OUT_CH)]
    inp = {"x": x, "edge_index": edge_index}
    for i, (di, do) in enumerate(dims):
        inp[f"W{i+1}"] = _glorot(ks[2 + i], (di, do))
        inp[f"b{i+1}"] = jnp.zeros((do,), dtype=jnp.float32)
    return inp


def _gcn_conv(x, src, dst, norm, W, b):
    h = x @ W
    msg = h[src] * norm[:, None]
    out = jnp.zeros((x.shape[0], W.shape[1]), dtype=h.dtype).at[dst].add(msg)
    return out + b


def reference(x, edge_index, W1, b1, W2, b2, W3, b3, W4, b4, W5, b5):
    # GCNConv with added self-loops and symmetric normalization (PyG semantics)
    n = x.shape[0]
    loop = jnp.arange(n, dtype=edge_index.dtype)
    src = jnp.concatenate([edge_index[0], loop])
    dst = jnp.concatenate([edge_index[1], loop])
    deg = jnp.zeros((n,), dtype=jnp.float32).at[dst].add(1.0)
    dinv = jnp.where(deg > 0, deg ** -0.5, 0.0)
    norm = dinv[src] * dinv[dst]
    h = jax.nn.relu(_gcn_conv(x, src, dst, norm, W1, b1))
    h = jax.nn.relu(_gcn_conv(h, src, dst, norm, W2, b2))
    h = jax.nn.relu(_gcn_conv(h, src, dst, norm, W3, b3))
    h = jax.nn.relu(_gcn_conv(h, src, dst, norm, W4, b4))
    h = jax.nn.relu(_gcn_conv(h, src, dst, norm, W5, b5))
    return h

if __name__ == "__main__":
    import jax
    _d = setup_inputs()
    print(jax.jit(kernel)(*tuple(_d.values())))

</pallas_src>

<mosaic_0001>
#map = affine_map<(d0, d1) -> (0, 0)>
#map1 = affine_map<(d0, d1) -> (0)>
module attributes {stable_mosaic.version = 14 : i64} {
  func.func @_sc_agg_body(%arg0: i32, %arg1: i32, %arg2: memref<10240x128xf32, #tpu.memory_space<hbm>>, %arg3: memref<671744xi32, #tpu.memory_space<hbm>>, %arg4: memref<10240x128xf32, #tpu.memory_space<hbm>>, %arg5: memref<20480x128xf32, #tpu.memory_space<hbm>>, %arg6: memref<10240x128xf32, #tpu.memory_space<vmem_shared>>, %arg7: memref<256xi32, #tpu.memory_space<vmem>>, %arg8: memref<256xi32, #tpu.memory_space<vmem>>, %arg9: memref<256xi32, #tpu.memory_space<vmem>>, %arg10: memref<256xi32, #tpu.memory_space<vmem>>, %arg11: memref<128x128xf32, #tpu.memory_space<vmem>>, %arg12: memref<128x128xf32, #tpu.memory_space<vmem>>, %arg13: memref<!tpu.dma_semaphore, #tpu.memory_space<semaphore_mem>>, %arg14: memref<!tpu.dma_semaphore, #tpu.memory_space<semaphore_mem>>, %arg15: memref<!tpu.dma_semaphore, #tpu.memory_space<semaphore_mem>>, %arg16: memref<!tpu.dma_semaphore, #tpu.memory_space<semaphore_mem>>, %arg17: memref<!tpu.dma_semaphore, #tpu.memory_space<semaphore_mem>>, %arg18: memref<!tpu.dma_semaphore, #tpu.memory_space<semaphore_mem>>, %arg19: memref<!tpu.dma_semaphore, #tpu.memory_space<semaphore_mem>>) attributes {dimension_semantics = [#tpu.dimension_semantics<core_parallel>, #tpu.dimension_semantics<subcore_parallel>], iteration_bounds = array<i64: 2, 16>, scalar_prefetch = 0 : i64, scratch_operands = 14 : i64, tpu.core_type = #tpu.core_type<sc_vector_subcore>, window_params = [{transform_indices = #map}, {transform_indices = #map1}, {transform_indices = #map}, {transform_indices = #map}]} {
    %mul3A = arith.constant 640 : i32
    %mul3A_0 = arith.muli %arg1, %mul3A : i32
    "tpu.region"() ({
      %run_scoped3A = tpu.sem_alloc : memref<!tpu.dma_semaphore, #tpu.memory_space<semaphore_mem>>
      %dma_start3A_210 = arith.constant 0 : i32
      %dma_start3A_211 = tpu.memref_slice %arg6[%mul3A_0, %dma_start3A_210] : memref<10240x128xf32, #tpu.memory_space<vmem_shared>> -> memref<640x128xf32, #tpu.memory_space<vmem_shared>>
      %dma_start3A_212 = arith.constant 0 : i32
      %dma_start3A_213 = tpu.memref_slice %arg4[%mul3A_0, %dma_start3A_212] : memref<10240x128xf32, #tpu.memory_space<hbm>> -> memref<640x128xf32, #tpu.memory_space<hbm>>
      tpu.enqueue_dma source(%dma_start3A_213 : memref<640x128xf32, #tpu.memory_space<hbm>>) target(%dma_start3A_211 : memref<640x128xf32, #tpu.memory_space<vmem_shared>>) target_semaphore(%run_scoped3A : memref<!tpu.dma_semaphore, #tpu.memory_space<semaphore_mem>>)
      %dma_wait3A_214 = arith.constant 0 : i32
      %dma_wait3A_215 = tpu.memref_slice %arg6[%mul3A_0, %dma_wait3A_214] : memref<10240x128xf32, #tpu.memory_space<vmem_shared>> -> memref<640x128xf32, #tpu.memory_space<vmem_shared>>
      %dma_wait3A_216 = arith.constant 0 : i32
      %dma_wait3A_217 = tpu.memref_slice %arg4[%mul3A_0, %dma_wait3A_216] : memref<10240x128xf32, #tpu.memory_space<hbm>> -> memref<640x128xf32, #tpu.memory_space<hbm>>
      tpu.wait_dma2 semaphore(%run_scoped3A : memref<!tpu.dma_semaphore, #tpu.memory_space<semaphore_mem>>) src(%dma_wait3A_217 : memref<640x128xf32, #tpu.memory_space<hbm>>) dst(%dma_wait3A_215 : memref<640x128xf32, #tpu.memory_space<vmem_shared>>)
      tpu.yield
    }) : () -> ()
    %dma_start3A = arith.constant 0 : i32
    %dma_start3A_1 = arith.constant 0 : i32
    %dma_start3A_2 = tpu.memref_slice %arg2[%dma_start3A, %dma_start3A_1] : memref<10240x128xf32, #tpu.memory_space<hbm>> -> memref<128x128xf32, #tpu.memory_space<hbm>>
    %dma_start3A_3 = arith.constant 0 : i32
    %dma_start3A_4 = arith.constant 0 : i32
    %dma_start3A_5 = tpu.memref_slice %arg2[%dma_start3A_3, %dma_start3A_4] : memref<10240x128xf32, #tpu.memory_space<hbm>> -> memref<128x128xf32, #tpu.memory_space<hbm>>
    tpu.enqueue_dma source(%dma_start3A_5 : memref<128x128xf32, #tpu.memory_space<hbm>>) target(%arg11 : memref<128x128xf32, #tpu.memory_space<vmem>>) target_semaphore(%arg13 : memref<!tpu.dma_semaphore, #tpu.memory_space<semaphore_mem>>)
    %dma_wait3A = arith.constant 0 : i32
    %dma_wait3A_6 = arith.constant 0 : i32
    %dma_wait3A_7 = tpu.memref_slice %arg2[%dma_wait3A, %dma_wait3A_6] : memref<10240x128xf32, #tpu.memory_space<hbm>> -> memref<128x128xf32, #tpu.memory_space<hbm>>
    %dma_wait3A_8 = arith.constant 0 : i32
    %dma_wait3A_9 = arith.constant 0 : i32
    %dma_wait3A_10 = tpu.memref_slice %arg2[%dma_wait3A_8, %dma_wait3A_9] : memref<10240x128xf32, #tpu.memory_space<hbm>> -> memref<128x128xf32, #tpu.memory_space<hbm>>
    tpu.wait_dma2 semaphore(%arg13 : memref<!tpu.dma_semaphore, #tpu.memory_space<semaphore_mem>>) src(%dma_wait3A_10 : memref<128x128xf32, #tpu.memory_space<hbm>>) dst(%arg11 : memref<128x128xf32, #tpu.memory_space<vmem>>)
    %mul3A_11 = arith.constant 82 : i32
    %mul3A_12 = arith.muli %arg1, %mul3A_11 : i32
    %add3A = arith.constant 0 : i32
    %add3A_13 = arith.addi %mul3A_12, %add3A : i32
    %mul3A_14 = arith.constant 2 : i32
    %mul3A_15 = arith.muli %add3A_13, %mul3A_14 : i32
    %add3A_16 = arith.addi %mul3A_15, %arg0 : i32
    %mul3A_17 = arith.constant 256 : i32
    %mul3A_18 = arith.muli %add3A_16, %mul3A_17 : i32
    %dma_start3A_19 = tpu.memref_slice %arg3[%mul3A_18] : memref<671744xi32, #tpu.memory_space<hbm>> -> memref<256xi32, #tpu.memory_space<hbm>>
    %dma_start3A_20 = tpu.memref_slice %arg3[%mul3A_18] : memref<671744xi32, #tpu.memory_space<hbm>> -> memref<256xi32, #tpu.memory_space<hbm>>
    tpu.enqueue_dma source(%dma_start3A_20 : memref<256xi32, #tpu.memory_space<hbm>>) target(%arg7 : memref<256xi32, #tpu.memory_space<vmem>>) target_semaphore(%arg16 : memref<!tpu.dma_semaphore, #tpu.memory_space<semaphore_mem>>)
    %mul3A_21 = arith.constant 82 : i32
    %mul3A_22 = arith.muli %arg1, %mul3A_21 : i32
    %add3A_23 = arith.constant 1 : i32
    %add3A_24 = arith.addi %mul3A_22, %add3A_23 : i32
    %mul3A_25 = arith.constant 2 : i32
    %mul3A_26 = arith.muli %add3A_24, %mul3A_25 : i32
    %add3A_27 = arith.addi %mul3A_26, %arg0 : i32
    %mul3A_28 = arith.constant 256 : i32
    %mul3A_29 = arith.muli %add3A_27, %mul3A_28 : i32
    %dma_start3A_30 = tpu.memref_slice %arg3[%mul3A_29] : memref<671744xi32, #tpu.memory_space<hbm>> -> memref<256xi32, #tpu.memory_space<hbm>>
    %dma_start3A_31 = tpu.memref_slice %arg3[%mul3A_29] : memref<671744xi32, #tpu.memory_space<hbm>> -> memref<256xi32, #tpu.memory_space<hbm>>
    tpu.enqueue_dma source(%dma_start3A_31 : memref<256xi32, #tpu.memory_space<hbm>>) target(%arg8 : memref<256xi32, #tpu.memory_space<vmem>>) target_semaphore(%arg17 : memref<!tpu.dma_semaphore, #tpu.memory_space<semaphore_mem>>)
    %barrier3A = arith.constant 0 : index
    tpu.barrier barrier_id(%barrier3A)
    %dma_wait3A_32 = arith.constant 0 : i32
    %dma_wait3A_33 = tpu.memref_slice %arg3[%dma_wait3A_32] : memref<671744xi32, #tpu.memory_space<hbm>> -> memref<256xi32, #tpu.memory_space<hbm>>
    %dma_wait3A_34 = arith.constant 0 : i32
    %dma_wait3A_35 = tpu.memref_slice %arg3[%dma_wait3A_34] : memref<671744xi32, #tpu.memory_space<hbm>> -> memref<256xi32, #tpu.memory_space<hbm>>
    tpu.wait_dma2 semaphore(%arg16 : memref<!tpu.dma_semaphore, #tpu.memory_space<semaphore_mem>>) src(%dma_wait3A_35 : memref<256xi32, #tpu.memory_space<hbm>>) dst(%arg7 : memref<256xi32, #tpu.memory_space<vmem>>)
    %min3A = arith.constant 2 : i32
    %min3A_36 = arith.constant 81 : i32
    %min3A_37 = arith.minsi %min3A, %min3A_36 : i32
    %mul3A_38 = arith.constant 82 : i32
    %mul3A_39 = arith.muli %arg1, %mul3A_38 : i32
    %add3A_40 = arith.addi %mul3A_39, %min3A_37 : i32
    %mul3A_41 = arith.constant 2 : i32
    %mul3A_42 = arith.muli %add3A_40, %mul3A_41 : i32
    %add3A_43 = arith.addi %mul3A_42, %arg0 : i32
    %mul3A_44 = arith.constant 256 : i32
    %mul3A_45 = arith.muli %add3A_43, %mul3A_44 : i32
    %dma_start3A_46 = tpu.memref_slice %arg3[%mul3A_45] : memref<671744xi32, #tpu.memory_space<hbm>> -> memref<256xi32, #tpu.memory_space<hbm>>
    %dma_start3A_47 = tpu.memref_slice %arg3[%mul3A_45] : memref<671744xi32, #tpu.memory_space<hbm>> -> memref<256xi32, #tpu.memory_space<hbm>>
    tpu.enqueue_dma source(%dma_start3A_47 : memref<256xi32, #tpu.memory_space<hbm>>) target(%arg9 : memref<256xi32, #tpu.memory_space<vmem>>) target_semaphore(%arg18 : memref<!tpu.dma_semaphore, #tpu.memory_space<semaphore_mem>>)
    %dma_start3A_48 = arith.constant 128 : i32
    %dma_start3A_49 = tpu.memref_slice %arg7[%dma_start3A_48] : memref<256xi32, #tpu.memory_space<vmem>> -> memref<128xi32, #tpu.memory_space<vmem>>
    %dma_start3A_50 = arith.constant 0 : i32
    %dma_start3A_51 = arith.constant 0 : i32
    %dma_start3A_52 = tpu.memref_slice %arg6[%dma_start3A_50, %dma_start3A_51] : memref<10240x128xf32, #tpu.memory_space<vmem_shared>> -> memref<10240x128xf32, #tpu.memory_space<vmem_shared>>
    tpu.enqueue_indirect_dma source(%arg11 : memref<128x128xf32, #tpu.memory_space<vmem>>) target(%dma_start3A_52 : memref<10240x128xf32, #tpu.memory_space<vmem_shared>>) offsets(%dma_start3A_49 : memref<128xi32, #tpu.memory_space<vmem>>) semaphore(%arg14 : memref<!tpu.dma_semaphore, #tpu.memory_space<semaphore_mem>>) {add = true}
    %dma_wait3A_53 = arith.constant 0 : i32
    %dma_wait3A_54 = tpu.memref_slice %arg3[%dma_wait3A_53] : memref<671744xi32, #tpu.memory_space<hbm>> -> memref<256xi32, #tpu.memory_space<hbm>>
    %dma_wait3A_55 = arith.constant 0 : i32
    %dma_wait3A_56 = tpu.memref_slice %arg3[%dma_wait3A_55] : memref<671744xi32, #tpu.memory_space<hbm>> -> memref<256xi32, #tpu.memory_space<hbm>>
    tpu.wait_dma2 semaphore(%arg17 : memref<!tpu.dma_semaphore, #tpu.memory_space<semaphore_mem>>) src(%dma_wait3A_56 : memref<256xi32, #tpu.memory_space<hbm>>) dst(%arg8 : memref<256xi32, #tpu.memory_space<vmem>>)
    %min3A_57 = arith.constant 3 : i32
    %min3A_58 = arith.constant 81 : i32
    %min3A_59 = arith.minsi %min3A_57, %min3A_58 : i32
    %mul3A_60 = arith.constant 82 : i32
    %mul3A_61 = arith.muli %arg1, %mul3A_60 : i32
    %add3A_62 = arith.addi %mul3A_61, %min3A_59 : i32
    %mul3A_63 = arith.constant 2 : i32
    %mul3A_64 = arith.muli %add3A_62, %mul3A_63 : i32
    %add3A_65 = arith.addi %mul3A_64, %arg0 : i32
    %mul3A_66 = arith.constant 256 : i32
    %mul3A_67 = arith.muli %add3A_65, %mul3A_66 : i32
    %dma_start3A_68 = tpu.memref_slice %arg3[%mul3A_67] : memref<671744xi32, #tpu.memory_space<hbm>> -> memref<256xi32, #tpu.memory_space<hbm>>
    %dma_start3A_69 = tpu.memref_slice %arg3[%mul3A_67] : memref<671744xi32, #tpu.memory_space<hbm>> -> memref<256xi32, #tpu.memory_space<hbm>>
    tpu.enqueue_dma source(%dma_start3A_69 : memref<256xi32, #tpu.memory_space<hbm>>) target(%arg10 : memref<256xi32, #tpu.memory_space<vmem>>) target_semaphore(%arg19 : memref<!tpu.dma_semaphore, #tpu.memory_space<semaphore_mem>>)
    %dma_start3A_70 = arith.constant 128 : i32
    %dma_start3A_71 = tpu.memref_slice %arg8[%dma_start3A_70] : memref<256xi32, #tpu.memory_space<vmem>> -> memref<128xi32, #tpu.memory_space<vmem>>
    %dma_start3A_72 = arith.constant 0 : i32
    %dma_start3A_73 = arith.constant 0 : i32
    %dma_start3A_74 = tpu.memref_slice %arg6[%dma_start3A_72, %dma_start3A_73] : memref<10240x128xf32, #tpu.memory_space<vmem_shared>> -> memref<10240x128xf32, #tpu.memory_space<vmem_shared>>
    tpu.enqueue_indirect_dma source(%arg11 : memref<128x128xf32, #tpu.memory_space<vmem>>) target(%dma_start3A_74 : memref<10240x128xf32, #tpu.memory_space<vmem_shared>>) offsets(%dma_start3A_71 : memref<128xi32, #tpu.memory_space<vmem>>) semaphore(%arg15 : memref<!tpu.dma_semaphore, #tpu.memory_space<semaphore_mem>>) {add = true}
    %dma_wait3A_75 = arith.constant 128 : i32
    %dma_wait3A_76 = tpu.memref_slice %arg7[%dma_wait3A_75] : memref<256xi32, #tpu.memory_space<vmem>> -> memref<128xi32, #tpu.memory_space<vmem>>
    %dma_wait3A_77 = arith.constant 0 : i32
    %dma_wait3A_78 = arith.constant 0 : i32
    %dma_wait3A_79 = tpu.memref_slice %arg6[%dma_wait3A_77, %dma_wait3A_78] : memref<10240x128xf32, #tpu.memory_space<vmem_shared>> -> memref<10240x128xf32, #tpu.memory_space<vmem_shared>>
    tpu.wait_indirect_dma semaphore(%arg14 : memref<!tpu.dma_semaphore, #tpu.memory_space<semaphore_mem>>) src(%arg11 : memref<128x128xf32, #tpu.memory_space<vmem>>) dst(%dma_wait3A_79 : memref<10240x128xf32, #tpu.memory_space<vmem_shared>>)
    %dma_wait3A_80 = arith.constant 0 : i32
    %dma_wait3A_81 = tpu.memref_slice %arg3[%dma_wait3A_80] : memref<671744xi32, #tpu.memory_space<hbm>> -> memref<256xi32, #tpu.memory_space<hbm>>
    %dma_wait3A_82 = arith.constant 0 : i32
    %dma_wait3A_83 = tpu.memref_slice %arg3[%dma_wait3A_82] : memref<671744xi32, #tpu.memory_space<hbm>> -> memref<256xi32, #tpu.memory_space<hbm>>
    tpu.wait_dma2 semaphore(%arg18 : memref<!tpu.dma_semaphore, #tpu.memory_space<semaphore_mem>>) src(%dma_wait3A_83 : memref<256xi32, #tpu.memory_space<hbm>>) dst(%arg9 : memref<256xi32, #tpu.memory_space<vmem>>)
    %min3A_84 = arith.constant 4 : i32
    %min3A_85 = arith.constant 81 : i32
    %min3A_86 = arith.minsi %min3A_84, %min3A_85 : i32
    %mul3A_87 = arith.constant 82 : i32
    %mul3A_88 = arith.muli %arg1, %mul3A_87 : i32
    %add3A_89 = arith.addi %mul3A_88, %min3A_86 : i32
    %mul3A_90 = arith.constant 2 : i32
    %mul3A_91 = arith.muli %add3A_89, %mul3A_90 : i32
    %add3A_92 = arith.addi %mul3A_91, %arg0 : i32
    %mul3A_93 = arith.constant 256 : i32
    %mul3A_94 = arith.muli %add3A_92, %mul3A_93 : i32
    %dma_start3A_95 = tpu.memref_slice %arg3[%mul3A_94] : memref<671744xi32, #tpu.memory_space<hbm>> -> memref<256xi32, #tpu.memory_space<hbm>>
    %dma_start3A_96 = tpu.memref_slice %arg3[%mul3A_94] : memref<671744xi32, #tpu.memory_space<hbm>> -> memref<256xi32, #tpu.memory_space<hbm>>
    tpu.enqueue_dma source(%dma_start3A_96 : memref<256xi32, #tpu.memory_space<hbm>>) target(%arg7 : memref<256xi32, #tpu.memory_space<vmem>>) target_semaphore(%arg16 : memref<!tpu.dma_semaphore, #tpu.memory_space<semaphore_mem>>)
    %dma_start3A_97 = arith.constant 128 : i32
    %dma_start3A_98 = tpu.memref_slice %arg9[%dma_start3A_97] : memref<256xi32, #tpu.memory_space<vmem>> -> memref<128xi32, #tpu.memory_space<vmem>>
    %dma_start3A_99 = arith.constant 0 : i32
    %dma_start3A_100 = arith.constant 0 : i32
    %dma_start3A_101 = tpu.memref_slice %arg6[%dma_start3A_99, %dma_start3A_100] : memref<10240x128xf32, #tpu.memory_space<vmem_shared>> -> memref<10240x128xf32, #tpu.memory_space<vmem_shared>>
    tpu.enqueue_indirect_dma source(%arg11 : memref<128x128xf32, #tpu.memory_space<vmem>>) target(%dma_start3A_101 : memref<10240x128xf32, #tpu.memory_space<vmem_shared>>) offsets(%dma_start3A_98 : memref<128xi32, #tpu.memory_space<vmem>>) semaphore(%arg14 : memref<!tpu.dma_semaphore, #tpu.memory_space<semaphore_mem>>) {add = true}
    %dma_wait3A_102 = arith.constant 128 : i32
    %dma_wait3A_103 = tpu.memref_slice %arg7[%dma_wait3A_102] : memref<256xi32, #tpu.memory_space<vmem>> -> memref<128xi32, #tpu.memory_space<vmem>>
    %dma_wait3A_104 = arith.constant 0 : i32
    %dma_wait3A_105 = arith.constant 0 : i32
    %dma_wait3A_106 = tpu.memref_slice %arg6[%dma_wait3A_104, %dma_wait3A_105] : memref<10240x128xf32, #tpu.memory_space<vmem_shared>> -> memref<10240x128xf32, #tpu.memory_space<vmem_shared>>
    tpu.wait_indirect_dma semaphore(%arg15 : memref<!tpu.dma_semaphore, #tpu.memory_space<semaphore_mem>>) src(%arg11 : memref<128x128xf32, #tpu.memory_space<vmem>>) dst(%dma_wait3A_106 : memref<10240x128xf32, #tpu.memory_space<vmem_shared>>)
    %dma_wait3A_107 = arith.constant 0 : i32
    %dma_wait3A_108 = tpu.memref_slice %arg3[%dma_wait3A_107] : memref<671744xi32, #tpu.memory_space<hbm>> -> memref<256xi32, #tpu.memory_space<hbm>>
    %dma_wait3A_109 = arith.constant 0 : i32
    %dma_wait3A_110 = tpu.memref_slice %arg3[%dma_wait3A_109] : memref<671744xi32, #tpu.memory_space<hbm>> -> memref<256xi32, #tpu.memory_space<hbm>>
    tpu.wait_dma2 semaphore(%arg19 : memref<!tpu.dma_semaphore, #tpu.memory_space<semaphore_mem>>) src(%dma_wait3A_110 : memref<256xi32, #tpu.memory_space<hbm>>) dst(%arg10 : memref<256xi32, #tpu.memory_space<vmem>>)
    %min3A_111 = arith.constant 5 : i32
    %min3A_112 = arith.constant 81 : i32
    %min3A_113 = arith.minsi %min3A_111, %min3A_112 : i32
    %mul3A_114 = arith.constant 82 : i32
    %mul3A_115 = arith.muli %arg1, %mul3A_114 : i32
    %add3A_116 = arith.addi %mul3A_115, %min3A_113 : i32
    %mul3A_117 = arith.constant 2 : i32
    %mul3A_118 = arith.muli %add3A_116, %mul3A_117 : i32
    %add3A_119 = arith.addi %mul3A_118, %arg0 : i32
    %mul3A_120 = arith.constant 256 : i32
    %mul3A_121 = arith.muli %add3A_119, %mul3A_120 : i32
    %dma_start3A_122 = tpu.memref_slice %arg3[%mul3A_121] : memref<671744xi32, #tpu.memory_space<hbm>> -> memref<256xi32, #tpu.memory_space<hbm>>
    %dma_start3A_123 = tpu.memref_slice %arg3[%mul3A_121] : memref<671744xi32, #tpu.memory_space<hbm>> -> memref<256xi32, #tpu.memory_space<hbm>>
    tpu.enqueue_dma source(%dma_start3A_123 : memref<256xi32, #tpu.memory_space<hbm>>) target(%arg8 : memref<256xi32, #tpu.memory_space<vmem>>) target_semaphore(%arg17 : memref<!tpu.dma_semaphore, #tpu.memory_space<semaphore_mem>>)
    %dma_start3A_124 = arith.constant 128 : i32
    %dma_start3A_125 = tpu.memref_slice %arg10[%dma_start3A_124] : memref<256xi32, #tpu.memory_space<vmem>> -> memref<128xi32, #tpu.memory_space<vmem>>
    %dma_start3A_126 = arith.constant 0 : i32
    %dma_start3A_127 = arith.constant 0 : i32
    %dma_start3A_128 = tpu.memref_slice %arg6[%dma_start3A_126, %dma_start3A_127] : memref<10240x128xf32, #tpu.memory_space<vmem_shared>> -> memref<10240x128xf32, #tpu.memory_space<vmem_shared>>
    tpu.enqueue_indirect_dma source(%arg11 : memref<128x128xf32, #tpu.memory_space<vmem>>) target(%dma_start3A_128 : memref<10240x128xf32, #tpu.memory_space<vmem_shared>>) offsets(%dma_start3A_125 : memref<128xi32, #tpu.memory_space<vmem>>) semaphore(%arg15 : memref<!tpu.dma_semaphore, #tpu.memory_space<semaphore_mem>>) {add = true}
    %scan3A = arith.constant 0 : i32
    %scan3A_129 = arith.constant 1 : i32
    %scan3A_130 = arith.constant 19 : i32
    %scan3A_131 = arith.addi %scan3A_129, %scan3A_130 : i32
    %scan3A_132 = arith.constant 1 : i32
    scf.for %scan3A_210 = %scan3A_129 to %scan3A_131 step %scan3A_132  : i32 {
      %mul3A_211 = arith.constant 4 : i32
      %mul3A_212 = arith.muli %mul3A_211, %scan3A_210 : i32
      %dma_wait3A_213 = arith.constant 128 : i32
      %dma_wait3A_214 = tpu.memref_slice %arg7[%dma_wait3A_213] : memref<256xi32, #tpu.memory_space<vmem>> -> memref<128xi32, #tpu.memory_space<vmem>>
      %dma_wait3A_215 = arith.constant 0 : i32
      %dma_wait3A_216 = arith.constant 0 : i32
      %dma_wait3A_217 = tpu.memref_slice %arg6[%dma_wait3A_215, %dma_wait3A_216] : memref<10240x128xf32, #tpu.memory_space<vmem_shared>> -> memref<10240x128xf32, #tpu.memory_space<vmem_shared>>
      tpu.wait_indirect_dma semaphore(%arg14 : memref<!tpu.dma_semaphore, #tpu.memory_space<semaphore_mem>>) src(%arg11 : memref<128x128xf32, #tpu.memory_space<vmem>>) dst(%dma_wait3A_217 : memref<10240x128xf32, #tpu.memory_space<vmem_shared>>)
      %dma_wait3A_218 = arith.constant 0 : i32
      %dma_wait3A_219 = tpu.memref_slice %arg3[%dma_wait3A_218] : memref<671744xi32, #tpu.memory_space<hbm>> -> memref<256xi32, #tpu.memory_space<hbm>>
      %dma_wait3A_220 = arith.constant 0 : i32
      %dma_wait3A_221 = tpu.memref_slice %arg3[%dma_wait3A_220] : memref<671744xi32, #tpu.memory_space<hbm>> -> memref<256xi32, #tpu.memory_space<hbm>>
      tpu.wait_dma2 semaphore(%arg16 : memref<!tpu.dma_semaphore, #tpu.memory_space<semaphore_mem>>) src(%dma_wait3A_221 : memref<256xi32, #tpu.memory_space<hbm>>) dst(%arg7 : memref<256xi32, #tpu.memory_space<vmem>>)
      %add3A_222 = arith.constant 2 : i32
      %add3A_223 = arith.addi %mul3A_212, %add3A_222 : i32
      %min3A_224 = arith.constant 81 : i32
      %min3A_225 = arith.minsi %add3A_223, %min3A_224 : i32
      %mul3A_226 = arith.constant 82 : i32
      %mul3A_227 = arith.muli %arg1, %mul3A_226 : i32
      %add3A_228 = arith.addi %mul3A_227, %min3A_225 : i32
      %mul3A_229 = arith.constant 2 : i32
      %mul3A_230 = arith.muli %add3A_228, %mul3A_229 : i32
      %add3A_231 = arith.addi %mul3A_230, %arg0 : i32
      %mul3A_232 = arith.constant 256 : i32
      %mul3A_233 = arith.muli %add3A_231, %mul3A_232 : i32
      %dma_start3A_234 = tpu.memref_slice %arg3[%mul3A_233] : memref<671744xi32, #tpu.memory_space<hbm>> -> memref<256xi32, #tpu.memory_space<hbm>>
      %dma_start3A_235 = tpu.memref_slice %arg3[%mul3A_233] : memref<671744xi32, #tpu.memory_space<hbm>> -> memref<256xi32, #tpu.memory_space<hbm>>
      tpu.enqueue_dma source(%dma_start3A_235 : memref<256xi32, #tpu.memory_space<hbm>>) target(%arg9 : memref<256xi32, #tpu.memory_space<vmem>>) target_semaphore(%arg18 : memref<!tpu.dma_semaphore, #tpu.memory_space<semaphore_mem>>)
      %dma_start3A_236 = arith.constant 128 : i32
      %dma_start3A_237 = tpu.memref_slice %arg7[%dma_start3A_236] : memref<256xi32, #tpu.memory_space<vmem>> -> memref<128xi32, #tpu.memory_space<vmem>>
      %dma_start3A_238 = arith.constant 0 : i32
      %dma_start3A_239 = arith.constant 0 : i32
      %dma_start3A_240 = tpu.memref_slice %arg6[%dma_start3A_238, %dma_start3A_239] : memref<10240x128xf32, #tpu.memory_space<vmem_shared>> -> memref<10240x128xf32, #tpu.memory_space<vmem_shared>>
      tpu.enqueue_indirect_dma source(%arg11 : memref<128x128xf32, #tpu.memory_space<vmem>>) target(%dma_start3A_240 : memref<10240x128xf32, #tpu.memory_space<vmem_shared>>) offsets(%dma_start3A_237 : memref<128xi32, #tpu.memory_space<vmem>>) semaphore(%arg14 : memref<!tpu.dma_semaphore, #tpu.memory_space<semaphore_mem>>) {add = true}
      %add3A_241 = arith.constant 1 : i32
      %add3A_242 = arith.addi %mul3A_212, %add3A_241 : i32
      %dma_wait3A_243 = arith.constant 128 : i32
      %dma_wait3A_244 = tpu.memref_slice %arg7[%dma_wait3A_243] : memref<256xi32, #tpu.memory_space<vmem>> -> memref<128xi32, #tpu.memory_space<vmem>>
      %dma_wait3A_245 = arith.constant 0 : i32
      %dma_wait3A_246 = arith.constant 0 : i32
      %dma_wait3A_247 = tpu.memref_slice %arg6[%dma_wait3A_245, %dma_wait3A_246] : memref<10240x128xf32, #tpu.memory_space<vmem_shared>> -> memref<10240x128xf32, #tpu.memory_space<vmem_shared>>
      tpu.wait_indirect_dma semaphore(%arg15 : memref<!tpu.dma_semaphore, #tpu.memory_space<semaphore_mem>>) src(%arg11 : memref<128x128xf32, #tpu.memory_space<vmem>>) dst(%dma_wait3A_247 : memref<10240x128xf32, #tpu.memory_space<vmem_shared>>)
      %dma_wait3A_248 = arith.constant 0 : i32
      %dma_wait3A_249 = tpu.memref_slice %arg3[%dma_wait3A_248] : memref<671744xi32, #tpu.memory_space<hbm>> -> memref<256xi32, #tpu.memory_space<hbm>>
      %dma_wait3A_250 = arith.constant 0 : i32
      %dma_wait3A_251 = tpu.memref_slice %arg3[%dma_wait3A_250] : memref<671744xi32, #tpu.memory_space<hbm>> -> memref<256xi32, #tpu.memory_space<hbm>>
      tpu.wait_dma2 semaphore(%arg17 : memref<!tpu.dma_semaphore, #tpu.memory_space<semaphore_mem>>) src(%dma_wait3A_251 : memref<256xi32, #tpu.memory_space<hbm>>) dst(%arg8 : memref<256xi32, #tpu.memory_space<vmem>>)
      %add3A_252 = arith.constant 2 : i32
      %add3A_253 = arith.addi %add3A_242, %add3A_252 : i32
      %min3A_254 = arith.constant 81 : i32
      %min3A_255 = arith.minsi %add3A_253, %min3A_254 : i32
      %mul3A_256 = arith.constant 82 : i32
      %mul3A_257 = arith.muli %arg1, %mul3A_256 : i32
      %add3A_258 = arith.addi %mul3A_257, %min3A_255 : i32
      %mul3A_259 = arith.constant 2 : i32
      %mul3A_260 = arith.muli %add3A_258, %mul3A_259 : i32
      %add3A_261 = arith.addi %mul3A_260, %arg0 : i32
      %mul3A_262 = arith.constant 256 : i32
      %mul3A_263 = arith.muli %add3A_261, %mul3A_262 : i32
      %dma_start3A_264 = tpu.memref_slice %arg3[%mul3A_263] : memref<671744xi32, #tpu.memory_space<hbm>> -> memref<256xi32, #tpu.memory_space<hbm>>
      %dma_start3A_265 = tpu.memref_slice %arg3[%mul3A_263] : memref<671744xi32, #tpu.memory_space<hbm>> -> memref<256xi32, #tpu.memory_space<hbm>>
      tpu.enqueue_dma source(%dma_start3A_265 : memref<256xi32, #tpu.memory_space<hbm>>) target(%arg10 : memref<256xi32, #tpu.memory_space<vmem>>) target_semaphore(%arg19 : memref<!tpu.dma_semaphore, #tpu.memory_space<semaphore_mem>>)
      %dma_start3A_266 = arith.constant 128 : i32
      %dma_start3A_267 = tpu.memref_slice %arg8[%dma_start3A_266] : memref<256xi32, #tpu.memory_space<vmem>> -> memref<128xi32, #tpu.memory_space<vmem>>
      %dma_start3A_268 = arith.constant 0 : i32
      %dma_start3A_269 = arith.constant 0 : i32
      %dma_start3A_270 = tpu.memref_slice %arg6[%dma_start3A_268, %dma_start3A_269] : memref<10240x128xf32, #tpu.memory_space<vmem_shared>> -> memref<10240x128xf32, #tpu.memory_space<vmem_shared>>
      tpu.enqueue_indirect_dma source(%arg11 : memref<128x128xf32, #tpu.memory_space<vmem>>) target(%dma_start3A_270 : memref<10240x128xf32, #tpu.memory_space<vmem_shared>>) offsets(%dma_start3A_267 : memref<128xi32, #tpu.memory_space<vmem>>) semaphore(%arg15 : memref<!tpu.dma_semaphore, #tpu.memory_space<semaphore_mem>>) {add = true}
      %add3A_271 = arith.constant 2 : i32
      %add3A_272 = arith.addi %mul3A_212, %add3A_271 : i32
      %dma_wait3A_273 = arith.constant 128 : i32
      %dma_wait3A_274 = tpu.memref_slice %arg7[%dma_wait3A_273] : memref<256xi32, #tpu.memory_space<vmem>> -> memref<128xi32, #tpu.memory_space<vmem>>
      %dma_wait3A_275 = arith.constant 0 : i32
      %dma_wait3A_276 = arith.constant 0 : i32
      %dma_wait3A_277 = tpu.memref_slice %arg6[%dma_wait3A_275, %dma_wait3A_276] : memref<10240x128xf32, #tpu.memory_space<vmem_shared>> -> memref<10240x128xf32, #tpu.memory_space<vmem_shared>>
      tpu.wait_indirect_dma semaphore(%arg14 : memref<!tpu.dma_semaphore, #tpu.memory_space<semaphore_mem>>) src(%arg11 : memref<128x128xf32, #tpu.memory_space<vmem>>) dst(%dma_wait3A_277 : memref<10240x128xf32, #tpu.memory_space<vmem_shared>>)
      %dma_wait3A_278 = arith.constant 0 : i32
      %dma_wait3A_279 = tpu.memref_slice %arg3[%dma_wait3A_278] : memref<671744xi32, #tpu.memory_space<hbm>> -> memref<256xi32, #tpu.memory_space<hbm>>
      %dma_wait3A_280 = arith.constant 0 : i32
      %dma_wait3A_281 = tpu.memref_slice %arg3[%dma_wait3A_280] : memref<671744xi32, #tpu.memory_space<hbm>> -> memref<256xi32, #tpu.memory_space<hbm>>
      tpu.wait_dma2 semaphore(%arg18 : memref<!tpu.dma_semaphore, #tpu.memory_space<semaphore_mem>>) src(%dma_wait3A_281 : memref<256xi32, #tpu.memory_space<hbm>>) dst(%arg9 : memref<256xi32, #tpu.memory_space<vmem>>)
      %add3A_282 = arith.constant 2 : i32
      %add3A_283 = arith.addi %add3A_272, %add3A_282 : i32
      %min3A_284 = arith.constant 81 : i32
      %min3A_285 = arith.minsi %add3A_283, %min3A_284 : i32
      %mul3A_286 = arith.constant 82 : i32
      %mul3A_287 = arith.muli %arg1, %mul3A_286 : i32
      %add3A_288 = arith.addi %mul3A_287, %min3A_285 : i32
      %mul3A_289 = arith.constant 2 : i32
      %mul3A_290 = arith.muli %add3A_288, %mul3A_289 : i32
      %add3A_291 = arith.addi %mul3A_290, %arg0 : i32
      %mul3A_292 = arith.constant 256 : i32
      %mul3A_293 = arith.muli %add3A_291, %mul3A_292 : i32
      %dma_start3A_294 = tpu.memref_slice %arg3[%mul3A_293] : memref<671744xi32, #tpu.memory_space<hbm>> -> memref<256xi32, #tpu.memory_space<hbm>>
      %dma_start3A_295 = tpu.memref_slice %arg3[%mul3A_293] : memref<671744xi32, #tpu.memory_space<hbm>> -> memref<256xi32, #tpu.memory_space<hbm>>
      tpu.enqueue_dma source(%dma_start3A_295 : memref<256xi32, #tpu.memory_space<hbm>>) target(%arg7 : memref<256xi32, #tpu.memory_space<vmem>>) target_semaphore(%arg16 : memref<!tpu.dma_semaphore, #tpu.memory_space<semaphore_mem>>)
      %dma_start3A_296 = arith.constant 128 : i32
      %dma_start3A_297 = tpu.memref_slice %arg9[%dma_start3A_296] : memref<256xi32, #tpu.memory_space<vmem>> -> memref<128xi32, #tpu.memory_space<vmem>>
      %dma_start3A_298 = arith.constant 0 : i32
      %dma_start3A_299 = arith.constant 0 : i32
      %dma_start3A_300 = tpu.memref_slice %arg6[%dma_start3A_298, %dma_start3A_299] : memref<10240x128xf32, #tpu.memory_space<vmem_shared>> -> memref<10240x128xf32, #tpu.memory_space<vmem_shared>>
      tpu.enqueue_indirect_dma source(%arg11 : memref<128x128xf32, #tpu.memory_space<vmem>>) target(%dma_start3A_300 : memref<10240x128xf32, #tpu.memory_space<vmem_shared>>) offsets(%dma_start3A_297 : memref<128xi32, #tpu.memory_space<vmem>>) semaphore(%arg14 : memref<!tpu.dma_semaphore, #tpu.memory_space<semaphore_mem>>) {add = true}
      %add3A_301 = arith.constant 3 : i32
      %add3A_302 = arith.addi %mul3A_212, %add3A_301 : i32
      %dma_wait3A_303 = arith.constant 128 : i32
      %dma_wait3A_304 = tpu.memref_slice %arg7[%dma_wait3A_303] : memref<256xi32, #tpu.memory_space<vmem>> -> memref<128xi32, #tpu.memory_space<vmem>>
      %dma_wait3A_305 = arith.constant 0 : i32
      %dma_wait3A_306 = arith.constant 0 : i32
      %dma_wait3A_307 = tpu.memref_slice %arg6[%dma_wait3A_305, %dma_wait3A_306] : memref<10240x128xf32, #tpu.memory_space<vmem_shared>> -> memref<10240x128xf32, #tpu.memory_space<vmem_shared>>
      tpu.wait_indirect_dma semaphore(%arg15 : memref<!tpu.dma_semaphore, #tpu.memory_space<semaphore_mem>>) src(%arg11 : memref<128x128xf32, #tpu.memory_space<vmem>>) dst(%dma_wait3A_307 : memref<10240x128xf32, #tpu.memory_space<vmem_shared>>)
      %dma_wait3A_308 = arith.constant 0 : i32
      %dma_wait3A_309 = tpu.memref_slice %arg3[%dma_wait3A_308] : memref<671744xi32, #tpu.memory_space<hbm>> -> memref<256xi32, #tpu.memory_space<hbm>>
      %dma_wait3A_310 = arith.constant 0 : i32
      %dma_wait3A_311 = tpu.memref_slice %arg3[%dma_wait3A_310] : memref<671744xi32, #tpu.memory_space<hbm>> -> memref<256xi32, #tpu.memory_space<hbm>>
      tpu.wait_dma2 semaphore(%arg19 : memref<!tpu.dma_semaphore, #tpu.memory_space<semaphore_mem>>) src(%dma_wait3A_311 : memref<256xi32, #tpu.memory_space<hbm>>) dst(%arg10 : memref<256xi32, #tpu.memory_space<vmem>>)
      %add3A_312 = arith.constant 2 : i32
      %add3A_313 = arith.addi %add3A_302, %add3A_312 : i32
      %min3A_314 = arith.constant 81 : i32
      %min3A_315 = arith.minsi %add3A_313, %min3A_314 : i32
      %mul3A_316 = arith.constant 82 : i32
      %mul3A_317 = arith.muli %arg1, %mul3A_316 : i32
      %add3A_318 = arith.addi %mul3A_317, %min3A_315 : i32
      %mul3A_319 = arith.constant 2 : i32
      %mul3A_320 = arith.muli %add3A_318, %mul3A_319 : i32
      %add3A_321 = arith.addi %mul3A_320, %arg0 : i32
      %mul3A_322 = arith.constant 256 : i32
      %mul3A_323 = arith.muli %add3A_321, %mul3A_322 : i32
      %dma_start3A_324 = tpu.memref_slice %arg3[%mul3A_323] : memref<671744xi32, #tpu.memory_space<hbm>> -> memref<256xi32, #tpu.memory_space<hbm>>
      %dma_start3A_325 = tpu.memref_slice %arg3[%mul3A_323] : memref<671744xi32, #tpu.memory_space<hbm>> -> memref<256xi32, #tpu.memory_space<hbm>>
      tpu.enqueue_dma source(%dma_start3A_325 : memref<256xi32, #tpu.memory_space<hbm>>) target(%arg8 : memref<256xi32, #tpu.memory_space<vmem>>) target_semaphore(%arg17 : memref<!tpu.dma_semaphore, #tpu.memory_space<semaphore_mem>>)
      %dma_start3A_326 = arith.constant 128 : i32
      %dma_start3A_327 = tpu.memref_slice %arg10[%dma_start3A_326] : memref<256xi32, #tpu.memory_space<vmem>> -> memref<128xi32, #tpu.memory_space<vmem>>
      %dma_start3A_328 = arith.constant 0 : i32
      %dma_start3A_329 = arith.constant 0 : i32
      %dma_start3A_330 = tpu.memref_slice %arg6[%dma_start3A_328, %dma_start3A_329] : memref<10240x128xf32, #tpu.memory_space<vmem_shared>> -> memref<10240x128xf32, #tpu.memory_space<vmem_shared>>
      tpu.enqueue_indirect_dma source(%arg11 : memref<128x128xf32, #tpu.memory_space<vmem>>) target(%dma_start3A_330 : memref<10240x128xf32, #tpu.memory_space<vmem_shared>>) offsets(%dma_start3A_327 : memref<128xi32, #tpu.memory_space<vmem>>) semaphore(%arg15 : memref<!tpu.dma_semaphore, #tpu.memory_space<semaphore_mem>>) {add = true}
    }
    %scan3A_133 = arith.constant 19 : i32
    %dma_wait3A_134 = arith.constant 128 : i32
    %dma_wait3A_135 = tpu.memref_slice %arg7[%dma_wait3A_134] : memref<256xi32, #tpu.memory_space<vmem>> -> memref<128xi32, #tpu.memory_space<vmem>>
    %dma_wait3A_136 = arith.constant 0 : i32
    %dma_wait3A_137 = arith.constant 0 : i32
    %dma_wait3A_138 = tpu.memref_slice %arg6[%dma_wait3A_136, %dma_wait3A_137] : memref<10240x128xf32, #tpu.memory_space<vmem_shared>> -> memref<10240x128xf32, #tpu.memory_space<vmem_shared>>
    tpu.wait_indirect_dma semaphore(%arg14 : memref<!tpu.dma_semaphore, #tpu.memory_space<semaphore_mem>>) src(%arg11 : memref<128x128xf32, #tpu.memory_space<vmem>>) dst(%dma_wait3A_138 : memref<10240x128xf32, #tpu.memory_space<vmem_shared>>)
    %dma_wait3A_139 = arith.constant 0 : i32
    %dma_wait3A_140 = tpu.memref_slice %arg3[%dma_wait3A_139] : memref<671744xi32, #tpu.memory_space<hbm>> -> memref<256xi32, #tpu.memory_space<hbm>>
    %dma_wait3A_141 = arith.constant 0 : i32
    %dma_wait3A_142 = tpu.memref_slice %arg3[%dma_wait3A_141] : memref<671744xi32, #tpu.memory_space<hbm>> -> memref<256xi32, #tpu.memory_space<hbm>>
    tpu.wait_dma2 semaphore(%arg16 : memref<!tpu.dma_semaphore, #tpu.memory_space<semaphore_mem>>) src(%dma_wait3A_142 : memref<256xi32, #tpu.memory_space<hbm>>) dst(%arg7 : memref<256xi32, #tpu.memory_space<vmem>>)
    %min3A_143 = arith.constant 82 : i32
    %min3A_144 = arith.constant 81 : i32
    %min3A_145 = arith.minsi %min3A_143, %min3A_144 : i32
    %mul3A_146 = arith.constant 82 : i32
    %mul3A_147 = arith.muli %arg1, %mul3A_146 : i32
    %add3A_148 = arith.addi %mul3A_147, %min3A_145 : i32
    %mul3A_149 = arith.constant 2 : i32
    %mul3A_150 = arith.muli %add3A_148, %mul3A_149 : i32
    %add3A_151 = arith.addi %mul3A_150, %arg0 : i32
    %mul3A_152 = arith.constant 256 : i32
    %mul3A_153 = arith.muli %add3A_151, %mul3A_152 : i32
    %dma_start3A_154 = tpu.memref_slice %arg3[%mul3A_153] : memref<671744xi32, #tpu.memory_space<hbm>> -> memref<256xi32, #tpu.memory_space<hbm>>
    %dma_start3A_155 = tpu.memref_slice %arg3[%mul3A_153] : memref<671744xi32, #tpu.memory_space<hbm>> -> memref<256xi32, #tpu.memory_space<hbm>>
    tpu.enqueue_dma source(%dma_start3A_155 : memref<256xi32, #tpu.memory_space<hbm>>) target(%arg9 : memref<256xi32, #tpu.memory_space<vmem>>) target_semaphore(%arg18 : memref<!tpu.dma_semaphore, #tpu.memory_space<semaphore_mem>>)
    %dma_start3A_156 = arith.constant 128 : i32
    %dma_start3A_157 = tpu.memref_slice %arg7[%dma_start3A_156] : memref<256xi32, #tpu.memory_space<vmem>> -> memref<128xi32, #tpu.memory_space<vmem>>
    %dma_start3A_158 = arith.constant 0 : i32
    %dma_start3A_159 = arith.constant 0 : i32
    %dma_start3A_160 = tpu.memref_slice %arg6[%dma_start3A_158, %dma_start3A_159] : memref<10240x128xf32, #tpu.memory_space<vmem_shared>> -> memref<10240x128xf32, #tpu.memory_space<vmem_shared>>
    tpu.enqueue_indirect_dma source(%arg11 : memref<128x128xf32, #tpu.memory_space<vmem>>) target(%dma_start3A_160 : memref<10240x128xf32, #tpu.memory_space<vmem_shared>>) offsets(%dma_start3A_157 : memref<128xi32, #tpu.memory_space<vmem>>) semaphore(%arg14 : memref<!tpu.dma_semaphore, #tpu.memory_space<semaphore_mem>>) {add = true}
    %dma_wait3A_161 = arith.constant 128 : i32
    %dma_wait3A_162 = tpu.memref_slice %arg7[%dma_wait3A_161] : memref<256xi32, #tpu.memory_space<vmem>> -> memref<128xi32, #tpu.memory_space<vmem>>
    %dma_wait3A_163 = arith.constant 0 : i32
    %dma_wait3A_164 = arith.constant 0 : i32
    %dma_wait3A_165 = tpu.memref_slice %arg6[%dma_wait3A_163, %dma_wait3A_164] : memref<10240x128xf32, #tpu.memory_space<vmem_shared>> -> memref<10240x128xf32, #tpu.memory_space<vmem_shared>>
    tpu.wait_indirect_dma semaphore(%arg15 : memref<!tpu.dma_semaphore, #tpu.memory_space<semaphore_mem>>) src(%arg11 : memref<128x128xf32, #tpu.memory_space<vmem>>) dst(%dma_wait3A_165 : memref<10240x128xf32, #tpu.memory_space<vmem_shared>>)
    %dma_wait3A_166 = arith.constant 0 : i32
    %dma_wait3A_167 = tpu.memref_slice %arg3[%dma_wait3A_166] : memref<671744xi32, #tpu.memory_space<hbm>> -> memref<256xi32, #tpu.memory_space<hbm>>
    %dma_wait3A_168 = arith.constant 0 : i32
    %dma_wait3A_169 = tpu.memref_slice %arg3[%dma_wait3A_168] : memref<671744xi32, #tpu.memory_space<hbm>> -> memref<256xi32, #tpu.memory_space<hbm>>
    tpu.wait_dma2 semaphore(%arg17 : memref<!tpu.dma_semaphore, #tpu.memory_space<semaphore_mem>>) src(%dma_wait3A_169 : memref<256xi32, #tpu.memory_space<hbm>>) dst(%arg8 : memref<256xi32, #tpu.memory_space<vmem>>)
    %min3A_170 = arith.constant 83 : i32
    %min3A_171 = arith.constant 81 : i32
    %min3A_172 = arith.minsi %min3A_170, %min3A_171 : i32
    %mul3A_173 = arith.constant 82 : i32
    %mul3A_174 = arith.muli %arg1, %mul3A_173 : i32
    %add3A_175 = arith.addi %mul3A_174, %min3A_172 : i32
    %mul3A_176 = arith.constant 2 : i32
    %mul3A_177 = arith.muli %add3A_175, %mul3A_176 : i32
    %add3A_178 = arith.addi %mul3A_177, %arg0 : i32
    %mul3A_179 = arith.constant 256 : i32
    %mul3A_180 = arith.muli %add3A_178, %mul3A_179 : i32
    %dma_start3A_181 = tpu.memref_slice %arg3[%mul3A_180] : memref<671744xi32, #tpu.memory_space<hbm>> -> memref<256xi32, #tpu.memory_space<hbm>>
    %dma_start3A_182 = tpu.memref_slice %arg3[%mul3A_180] : memref<671744xi32, #tpu.memory_space<hbm>> -> memref<256xi32, #tpu.memory_space<hbm>>
    tpu.enqueue_dma source(%dma_start3A_182 : memref<256xi32, #tpu.memory_space<hbm>>) target(%arg10 : memref<256xi32, #tpu.memory_space<vmem>>) target_semaphore(%arg19 : memref<!tpu.dma_semaphore, #tpu.memory_space<semaphore_mem>>)
    %dma_start3A_183 = arith.constant 128 : i32
    %dma_start3A_184 = tpu.memref_slice %arg8[%dma_start3A_183] : memref<256xi32, #tpu.memory_space<vmem>> -> memref<128xi32, #tpu.memory_space<vmem>>
    %dma_start3A_185 = arith.constant 0 : i32
    %dma_start3A_186 = arith.constant 0 : i32
    %dma_start3A_187 = tpu.memref_slice %arg6[%dma_start3A_185, %dma_start3A_186] : memref<10240x128xf32, #tpu.memory_space<vmem_shared>> -> memref<10240x128xf32, #tpu.memory_space<vmem_shared>>
    tpu.enqueue_indirect_dma source(%arg11 : memref<128x128xf32, #tpu.memory_space<vmem>>) target(%dma_start3A_187 : memref<10240x128xf32, #tpu.memory_space<vmem_shared>>) offsets(%dma_start3A_184 : memref<128xi32, #tpu.memory_space<vmem>>) semaphore(%arg15 : memref<!tpu.dma_semaphore, #tpu.memory_space<semaphore_mem>>) {add = true}
    %dma_wait3A_188 = arith.constant 128 : i32
    %dma_wait3A_189 = tpu.memref_slice %arg7[%dma_wait3A_188] : memref<256xi32, #tpu.memory_space<vmem>> -> memref<128xi32, #tpu.memory_space<vmem>>
    %dma_wait3A_190 = arith.constant 0 : i32
    %dma_wait3A_191 = arith.constant 0 : i32
    %dma_wait3A_192 = tpu.memref_slice %arg6[%dma_wait3A_190, %dma_wait3A_191] : memref<10240x128xf32, #tpu.memory_space<vmem_shared>> -> memref<10240x128xf32, #tpu.memory_space<vmem_shared>>
    tpu.wait_indirect_dma semaphore(%arg14 : memref<!tpu.dma_semaphore, #tpu.memory_space<semaphore_mem>>) src(%arg11 : memref<128x128xf32, #tpu.memory_space<vmem>>) dst(%dma_wait3A_192 : memref<10240x128xf32, #tpu.memory_space<vmem_shared>>)
    %dma_wait3A_193 = arith.constant 128 : i32
    %dma_wait3A_194 = tpu.memref_slice %arg7[%dma_wait3A_193] : memref<256xi32, #tpu.memory_space<vmem>> -> memref<128xi32, #tpu.memory_space<vmem>>
    %dma_wait3A_195 = arith.constant 0 : i32
    %dma_wait3A_196 = arith.constant 0 : i32
    %dma_wait3A_197 = tpu.memref_slice %arg6[%dma_wait3A_195, %dma_wait3A_196] : memref<10240x128xf32, #tpu.memory_space<vmem_shared>> -> memref<10240x128xf32, #tpu.memory_space<vmem_shared>>
    tpu.wait_indirect_dma semaphore(%arg15 : memref<!tpu.dma_semaphore, #tpu.memory_space<semaphore_mem>>) src(%arg11 : memref<128x128xf32, #tpu.memory_space<vmem>>) dst(%dma_wait3A_197 : memref<10240x128xf32, #tpu.memory_space<vmem_shared>>)
    %dma_wait3A_198 = arith.constant 0 : i32
    %dma_wait3A_199 = tpu.memref_slice %arg3[%dma_wait3A_198] : memref<671744xi32, #tpu.memory_space<hbm>> -> memref<256xi32, #tpu.memory_space<hbm>>
    %dma_wait3A_200 = arith.constant 0 : i32
    %dma_wait3A_201 = tpu.memref_slice %arg3[%dma_wait3A_200] : memref<671744xi32, #tpu.memory_space<hbm>> -> memref<256xi32, #tpu.memory_space<hbm>>
    tpu.wait_dma2 semaphore(%arg18 : memref<!tpu.dma_semaphore, #tpu.memory_space<semaphore_mem>>) src(%dma_wait3A_201 : memref<256xi32, #tpu.memory_space<hbm>>) dst(%arg9 : memref<256xi32, #tpu.memory_space<vmem>>)
    %dma_wait3A_202 = arith.constant 0 : i32
    %dma_wait3A_203 = tpu.memref_slice %arg3[%dma_wait3A_202] : memref<671744xi32, #tpu.memory_space<hbm>> -> memref<256xi32, #tpu.memory_space<hbm>>
    %dma_wait3A_204 = arith.constant 0 : i32
    %dma_wait3A_205 = tpu.memref_slice %arg3[%dma_wait3A_204] : memref<671744xi32, #tpu.memory_space<hbm>> -> memref<256xi32, #tpu.memory_space<hbm>>
    tpu.wait_dma2 semaphore(%arg19 : memref<!tpu.dma_semaphore, #tpu.memory_space<semaphore_mem>>) src(%dma_wait3A_205 : memref<256xi32, #tpu.memory_space<hbm>>) dst(%arg10 : memref<256xi32, #tpu.memory_space<vmem>>)
    %barrier3A_206 = arith.constant 0 : index
    tpu.barrier barrier_id(%barrier3A_206)
    %mul3A_207 = arith.constant 10240 : i32
    %mul3A_208 = arith.muli %arg0, %mul3A_207 : i32
    %add3A_209 = arith.addi %mul3A_208, %mul3A_0 : i32
    "tpu.region"() ({
      %run_scoped3A = tpu.sem_alloc : memref<!tpu.dma_semaphore, #tpu.memory_space<semaphore_mem>>
      %dma_start3A_210 = arith.constant 0 : i32
      %dma_start3A_211 = tpu.memref_slice %arg5[%add3A_209, %dma_start3A_210] : memref<20480x128xf32, #tpu.memory_space<hbm>> -> memref<640x128xf32, #tpu.memory_space<hbm>>
      %dma_start3A_212 = arith.constant 0 : i32
      %dma_start3A_213 = tpu.memref_slice %arg6[%mul3A_0, %dma_start3A_212] : memref<10240x128xf32, #tpu.memory_space<vmem_shared>> -> memref<640x128xf32, #tpu.memory_space<vmem_shared>>
      tpu.enqueue_dma source(%dma_start3A_213 : memref<640x128xf32, #tpu.memory_space<vmem_shared>>) target(%dma_start3A_211 : memref<640x128xf32, #tpu.memory_space<hbm>>) target_semaphore(%run_scoped3A : memref<!tpu.dma_semaphore, #tpu.memory_space<semaphore_mem>>)
      %dma_wait3A_214 = arith.constant 0 : i32
      %dma_wait3A_215 = tpu.memref_slice %arg5[%add3A_209, %dma_wait3A_214] : memref<20480x128xf32, #tpu.memory_space<hbm>> -> memref<640x128xf32, #tpu.memory_space<hbm>>
      %dma_wait3A_216 = arith.constant 0 : i32
      %dma_wait3A_217 = tpu.memref_slice %arg6[%mul3A_0, %dma_wait3A_216] : memref<10240x128xf32, #tpu.memory_space<vmem_shared>> -> memref<640x128xf32, #tpu.memory_space<vmem_shared>>
      tpu.wait_dma2 semaphore(%run_scoped3A : memref<!tpu.dma_semaphore, #tpu.memory_space<semaphore_mem>>) src(%dma_wait3A_217 : memref<640x128xf32, #tpu.memory_space<vmem_shared>>) dst(%dma_wait3A_215 : memref<640x128xf32, #tpu.memory_space<hbm>>)
      tpu.yield
    }) : () -> ()
    return
  }
}

</mosaic_0001>

<sc_bundles>
// kernel: _sc_agg.3.cloned.1.call-start
scs
__scs_entry_jumppad:
0x0: {  	(pc) =	sbr.rel $0x88, $3  }
0x1: {  	(tag) =	ssettag $0x0;
	lr =	simm.s32 $0x1  }
0x2: {  	[smem:$0x3F9F] =	sst lr;
	_ =	strace $0xD0000000  }
0x3: {  	_ = 	snop  }
0x4: {  	_ = 	snop  }
0x5: {  	_ = 	snop  }
0x6: {  	_ = 	snop  }
0x7: {  	_ = 	snop  }
__scs_overlays_trampoline_lowered:
0x8: {  	[smem:$0x3FAE] =	sst s0  }
0x9: {  	[smem:$0x3FAF] =	sst s1  }
0xa: {  	[smem:$0x3FB0] =	sst s2  }
0xb: {  	[smem:$0x3FB1] =	sst s3  }
0xc: {  	[smem:$0x3FB2] =	sst s4  }
0xd: {  	[smem:$0x3FB3] =	sst s5  }
0xe: {  	[smem:$0x3FB4] =	sst s6  }
0xf: {  	[smem:$0x3FB5] =	sst s7  }
0x10: {  	[smem:$0x3FB6] =	sst s8  }
0x11: {  	[smem:$0x3FB7] =	sst s9;
	s0 =	simm.s32 @!p0 $0x0  }
0x12: {  	s1 =	sld [smem:$0x3F9D];
	s0 =	simm.s32 @p0 $0x1  }
0x13: {  	[smem:$0x3FB8] =	sst s0;
	s0 =	simm.s32 @!p1 $0x0  }
0x14: {  	s2 =	sld [smem:$0x3F9C];
	s0 =	simm.s32 @p1 $0x1  }
0x15: {  	[smem:$0x3FB9] =	sst s0;
	s0 =	simm.s32 @!p2 $0x0  }
0x16: {  	s3 =	sld [smem:$0x3FDB];
	s0 =	simm.s32 @p2 $0x1  }
0x17: {  	s4 =	simm.s32 $0x1BF5;
	[smem:$0x3FBB] =	sst s0  }
0x18: {  	s0 =	sld [smem:$0x3F9E];
	_ =	swait.ge [sflag:s4], $0x0  }
0x19: {  	s7 =	sld [smem:$0x3F9F]  }
0x1a: {  	s8 =	sadd.s32 $0xFFFFE003, lr  }
0x1b: {  	s9 =	sadd.s32 $0xFFFFFEF7, lr;
	s5 =	simm.s32 $0xFFFFFFFF;
	p2 =	slt.u32 s8, $0xFFFFF086  }
0x1c: {  	p1 =	slt.u32 s9, $0xF7A;
	s5 =	simm.s32 @!p2 $0x0  }
0x1d: {  	s5 =	simm.s32 @p1 $0x1;
	p0 =	seq.s32 s7, s2  }
0x1e: {  	s7 =	smul.u32 @!p0 $0xF7A, s2;
	p2 =	seq.s32 @!p0 s5, $0x0  }
0x1f: {  	s9 =	smul.u32 $0xF7A, s1;
	s8 =	simm.s32 @!p0 $0x1BF5;
	p2 =	por !p2, p0  }
0x20: {  	[sflag:s8] =	ssyncset.s32 @!p0 $0xFFFFF086;
	s6 =	sadd.s32 @!p0 s3, s7;
	s7 =	simm.s32 @!p0 $0x108  }
0x21: {  	s3 =	sadd.s32 s3, s9;
	s6 =	sadd.s32 @!p0 $0x88, s6;
	s7 =	simm.s32 @p2 $0x1082  }
0x22: {  	[simem:s7], [sflag:s8] =	dma.local @!p0 [hbm:s6], $0xF7A  }
0x23: {  	s9 =	sor.u32 $0xD0000000, s2;
	s6 =	simm.s32 $0x108;
	_ =	swait.ge @!p0 [sflag:s8], $0x0  }
0x24: {  	s3 =	sadd.s32 $0x88, s3;
	s6 =	simm.s32 @!p1 $0x1082;
	[sflag:s4] =	ssyncset.s32 $0xFFFFF086  }
0x25: {  	[simem:s6], [sflag:s4] =	dma.local [hbm:s3], $0xF7A  }
0x26: {  	[smem:$0x3F9F] =	sst s1;
	(tag) =	ssettag s2;
	_ =	strace s9  }
0x27: {  	s1 =	sld [smem:$0x3FAF]  }
0x28: {  	s2 =	sld [smem:$0x3FB0]  }
0x29: {  	s4 =	sld [smem:$0x3FB2]  }
0x2a: {  	p0 =	seq.s32 s5, $0x0;
	s5 =	sld [smem:$0x3FB3]  }
0x2b: {  	s6 =	sld [smem:$0x3FB4]  }
0x2c: {  	s7 =	sld [smem:$0x3FB5]  }
0x2d: {  	s3 =	simm.s32 $0x108;
	s8 =	sld [smem:$0x3FB6]  }
0x2e: {  	s3 =	simm.s32 @!p0 $0x1082;
	s9 =	sld [smem:$0x3FB7]  }
0x2f: {  	lr =	sadd.s32 s0, s3;
	s0 =	sld [smem:$0x3FAE]  }
0x30: {  	s3 =	sld [smem:$0x3FB1]  }
0x31: {  	[smem:$0x3FBA] =	sst s10  }
0x32: {  	s10 =	sld [smem:$0x3FB8];
	_ =	sdelay $0x3  }
0x33: {  	p0 =	seq.s32 s10, $0x1;
	s10 =	sld [smem:$0x3FBA];
	_ =	sdelay $0x3  }
0x34: {  	[smem:$0x3FBA] =	sst s10  }
0x35: {  	s10 =	sld [smem:$0x3FB9];
	_ =	sdelay $0x3  }
0x36: {  	p1 =	seq.s32 s10, $0x1;
	s10 =	sld [smem:$0x3FBA];
	_ =	sdelay $0x3  }
0x37: {  	[smem:$0x3FBA] =	sst s10  }
0x38: {  	s10 =	sld [smem:$0x3FBB]  }
0x39: {  	_ = 	snop;
	(pc) =	sbr.ind lr, $3  }
0x3a: {  	_ = 	snop  }
0x3b: {  	_ = 	snop  }
0x3c: {  	p2 =	seq.s32 s10, $0x1;
	s10 =	sld [smem:$0x3FBA]  }
0x3d: {  	_ =	shalt  }
0x3e: {  	_ =	shalt  }
0x3f: {  	_ =	shalt  }
0x40: {  	_ =	shalt  }
0x41: {  	_ =	shalt  }
0x42: {  	_ =	shalt  }
0x43: {  	_ =	shalt  }
0x44: {  	_ =	shalt  }
0x45: {  	_ =	shalt  }
0x46: {  	_ =	shalt  }
0x47: {  	_ =	shalt  }
0x48: {  	_ =	shalt  }
0x49: {  	_ =	shalt  }
0x4a: {  	_ =	shalt  }
0x4b: {  	_ =	shalt  }
0x4c: {  	_ =	shalt  }
0x4d: {  	_ =	shalt  }
0x4e: {  	_ =	shalt  }
0x4f: {  	_ =	shalt  }
0x50: {  	_ =	shalt  }
0x51: {  	_ =	shalt  }
0x52: {  	_ =	shalt  }
0x53: {  	_ =	shalt  }
0x54: {  	_ =	shalt  }
0x55: {  	_ =	shalt  }
0x56: {  	_ =	shalt  }
0x57: {  	_ =	shalt  }
0x58: {  	_ =	shalt  }
0x59: {  	_ =	shalt  }
0x5a: {  	_ =	shalt  }
0x5b: {  	_ =	shalt  }
0x5c: {  	_ =	shalt  }
0x5d: {  	_ =	shalt  }
0x5e: {  	_ =	shalt  }
0x5f: {  	_ =	shalt  }
0x60: {  	_ =	shalt  }
0x61: {  	_ =	shalt  }
0x62: {  	_ =	shalt  }
0x63: {  	_ =	shalt  }
0x64: {  	_ =	shalt  }
0x65: {  	_ =	shalt  }
0x66: {  	_ =	shalt  }
0x67: {  	_ =	shalt  }
0x68: {  	_ =	shalt  }
0x69: {  	_ =	shalt  }
0x6a: {  	_ =	shalt  }
0x6b: {  	_ =	shalt  }
0x6c: {  	_ =	shalt  }
0x6d: {  	_ =	shalt  }
0x6e: {  	_ =	shalt  }
0x6f: {  	_ =	shalt  }
0x70: {  	_ =	shalt  }
0x71: {  	_ =	shalt  }
0x72: {  	_ =	shalt  }
0x73: {  	_ =	shalt  }
0x74: {  	_ =	shalt  }
0x75: {  	_ =	shalt  }
0x76: {  	_ =	shalt  }
0x77: {  	_ =	shalt  }
0x78: {  	_ =	shalt  }
0x79: {  	_ =	shalt  }
0x7a: {  	_ =	shalt  }
0x7b: {  	_ =	shalt  }
0x7c: {  	_ =	shalt  }
0x7d: {  	_ =	shalt  }
0x7e: {  	_ =	shalt  }
0x7f: {  	_ =	shalt  }
0x80: {  	_ =	shalt  }
0x81: {  	_ =	shalt  }
0x82: {  	_ =	shalt  }
0x83: {  	_ =	shalt  }
0x84: {  	_ =	shalt  }
0x85: {  	_ =	shalt  }
0x86: {  	_ =	shalt  }
0x87: {  	_ =	shalt  }
.Lfunc_end0:
.L_simem_size_0:
called_computation_lowered:
.L_overlay_start_0:
0x88: {  	s2 =	sld [smem:$0x3FD9]  }
0x89: {  	s3 =	sld [smem:$0x3FFE];
	_ =	sdelay $0x1  }
0x8a: {  	s1 =	srdreg.scid  }
0x8b: {  	s0 =	sand.u32 $0x1, s1  }
0x8c: {  	s17 =	sshll.u32 s0, $0xA;
	s2 =	sadd.s32 s3, s2  }
0x8d: {  	s2 =	sadd.s32 s2, s17  }
0x8e: {  	[smem:$0x3FC6] =	sst s2  }
0x8f: {  	_ = 	snop  }
0x90: {  	s2 =	sld [smem:$0x3FC9]  }
0x91: {  	s18 =	sld [smem:$0x3FC8]  }
0x92: {  	s4 =	sld [smem:$0x3FD0];
	(tm) =	ssettm $0x1  }
0x93: {  	s5 =	sld [smem:$0x3FFB];
	_ =	sdelay $0x3  }
0x94: {  	_ =	strace s5  }
0x95: {  	s5 =	sld [smem:$0x3FFC];
	_ =	sdelay $0x3  }
0x96: {  	_ =	strace s5  }
0x97: {  	s5 =	sld [smem:$0x3FFD];
	_ =	sdelay $0x3  }
0x98: {  	_ =	strace s5  }
0x99: {  	_ =	strace $0x8FFFFFFF  }
0x9a: {  	s19 =	sld [smem:$0x3FDB];
	_ =	sdelay $0x1  }
0x9b: {  	s6 =	simm.s32 $_scs_section_size  }
0x9c: {  	s7 =	simm.s32 $_size__tile_overlayer_lowered;
	s8 =	simm.s32 $_tile_overlayer_lowered  }
0x9d: {  	s22 =	simm.s32 $0x1BFF;
	s21 =	sshll.u32 s8, $0x1;
	s5 =	sadd.s32 s6, s19  }
0x9e: {  	s9 =	simm.s32 $0x0;
	s20 =	sshll.u32 s7, $0x1;
	s7 =	sadd.s32 s21, s5  }
0x9f: {  	[timem:s9], [sflag:s22] =	dma.local [hbm:s7], s20  }
0xa0: {  	_ =	swait.ge [sflag:s22], s20  }
0xa1: {  	s6 =	ssub.s32 $0x0, s20;
	[sflag:s22] =	ssyncset.done $0x0  }
0xa2: {  	[sflag:s22] =	ssyncadd.s32 s6;
	_ =	sdelay $0x1  }
0xa3: {  	s23 =	simm.s32 $0x1B8B  }
0xa4: {  	_ =	swait.ge [sflag:s23], $0x1  }
0xa5: {  	[sflag:s23] =	ssyncset.done $0x0  }
0xa6: {  	s25 =	simm.s32 $0x1B8E;
	s24 =	sld [smem:$0x3FFE];
	[sflag:s23] =	ssyncadd.s32 $0xFFFFFFFF  }
0xa7: {  	s26 =	simm.s32 $execute0_lowered;
	[smem:$0x3FD2] =	sst s25  }
0xa8: {  	s7 =	sshll.u32 s26, $0x1;
	_ =	strace $0x80000046;
	[dreg:$0x1] =	wrdreg $0xFFFFFFFF  }
0xa9: {  	s28 =	simm.s32 $_size_execute0_lowered;
	s5 =	sadd.s32 s5, s7;
	[dreg:$0x0] =	wrdreg $0x0  }
0xaa: {  	s7 =	sshll.u32 s28, $0x1;
	[dreg:$0x2] =	wrdreg s5  }
0xab: {  	[dreg:$0x3] =	wrdreg s7  }
0xac: {  	[dreg:$0x4] =	wrdreg $0xC0  }
0xad: {  	_ =	task [dreg:s9], $0x5FFFF  }
0xae: {  	[dreg:$0x1] =	wrdreg $0xFFFFFFFF  }
0xaf: {  	[dreg:$0x0] =	wrdreg $0x60  }
0xb0: {  	[dreg:$0x2] =	wrdreg s2  }
0xb1: {  	[dreg:$0x3] =	wrdreg s18  }
0xb2: {  	[dreg:$0x4] =	wrdreg s24  }
0xb3: {  	[dreg:$0x5] =	wrdreg s4  }
0xb4: {  	[dreg:$0x6] =	wrdreg $0x0  }
0xb5: {  	[dreg:$0x7] =	wrdreg $0x9  }
0xb6: {  	_ =	task.clear_ibuf [dreg:s9], $0x8FFFF;
	_ =	strace $0x90000046  }
0xb7: {  	s29 =	simm.s32 $0x9;
	_ =	strace $0x80000048  }
0xb8: {  	_ =	swait.ge [sflag:s29], $0x1  }
0xb9: {  	[sflag:s29] =	ssyncadd.s32 $0xFFFFFFFF  }
0xba: {  	_ =	strace $0x90000048  }
0xbb: {  	_ =	sfence  }
0xbc: {  	s30 =	sld [smem:$0x0];
	_ =	sdelay $0x2  }
0xbd: {  	s31 =	sshll.u32 s1, $0xD;
	s1 =	sshrl.u32 s1, $0x2  }
0xbe: {  	s3 =	sand.u32 $0x4000, s31;
	s1 =	sadd.s32 s1, s30  }
0xbf: {  	s0 =	sor.u32 s3, s0;
	s1 =	sshll.u32 s1, $0x11  }
0xc0: {  	s0 =	sor.u32 s1, s0  }
0xc1: {  	s0 =	sadd.s32 $0x8F2B, s0  }
0xc2: {  	[sflag:s0] =	ssyncadd.remote.s32 $0x1  }
0xc3: {  	_ =	sfence.sel $0xFFFF  }
0xc4: {  	[dreg:$0x0] =	wrdreg $0xFFFFFFFF;
	(pc) =	sbr.abs _section_cstart, $3  }
0xc5: {  	[dreg:$0x1] =	wrdreg $0xFFFFFFFF  }
0xc6: {  	_ =	task.clear_ibuf [dreg:s9], $0x2FFFF;
	_ =	strace $0x9FFFFFFF  }
0xc7: {  	(tm) =	ssettm $0x7FFFFFFF  }
tec
execute0_lowered:
.L_overlay_start_1:
0x0: {  	(tag) =	ssettag $0x1  }
0x1: {  	s0 =	rddreg [dreg:$0x1]  }
0x2: {  	s1 =	rddreg [dreg:$0x2]  }
0x3: {  	s2 =	rddreg [dreg:$0x3]  }
0x4: {  	s3 =	rddreg [dreg:$0x4];
	s11 =	stileid.u32  }
0x5: {  	s4 =	simm.s32 $0x0;
	s5 =	srdreg.scid;
	s18 =	simm.s32 $0x8  }
0x6: {  	s28 =	simm.s32 $0x5;
	s29 =	simm.s32 $0x14300;
	s6 =	smul.u32 $0x2800, s11  }
0x7: {  	s30 =	simm.s32 $0x14180;
	s31 =	simm.s32 $0x2;
	s19 =	smul.u32 $0xA4, s11  }
0x8: {  	[smem:$0x7FF] =	sst s4;
	s8 =	sand.u32 $0x1, s5;
	s9 =	smul.u32 $0x50000, s11  }
0x9: {  	s21 =	sshll.u32 s11, $0x6;
	s16 =	smul.u32 $0x1480, s11;
	_ =	strace $0x80000047  }
0xa: {  	s7 =	ssub.s32 $0x2, s8;
	s25 =	smul.u32 $0x28000, s8;
	s1 =	sadd.s32 s6, s1  }
0xb: {  	s10 =	sshrl.u32 s7, $0x1;
	s5 =	sor.u32 s8, s19;
	s20 =	sshrl.u32 s9, $0x2  }
0xc: {  	s8 =	sshll.u32 s8, $0x5;
	s19 =	simm.s32 $0x14400;
	s10 =	ssub.s32 s7, s10  }
0xd: {  	s5 =	sshll.u32 s5, $0x5;
	s9 =	sadd.s32 s20, s3;
	s1 =	sadd.s32 $0x400, s1  }
0xe: {  	s7 =	sor.u32 $0x1C08, s21;
	s20 =	simm.s32 $0x1;
	s21 =	simm.s32 $0x14000  }
0xf: {  	s5 =	sadd.s32 s0, s5;
	[dreg:$0x6] =	wrdreg s1;
	s1 =	sadd.s32 s6, s25  }
0x10: {  	s15 =	smax.u32 s10, $0x1;
	s0 =	sadd.s32 s16, s0;
	s17 =	sshrl.u32 s9, $0x3  }
0x11: {  	s25 =	simm.s32 $0x80;
	s6 =	simm.s32 $0x7;
	s9 =	simm.s32 $0x0  }
0x12: {  	s22 =	sadd.s32 $0x40, s5;
	s23 =	sadd.s32 $0x80, s5;
	s24 =	sadd.s32 $0xC0, s5  }
0x13: {  	s12 =	sadd.s32 $0x100, s5;
	s26 =	sadd.s32 $0x140, s5;
	[dreg:$0x7] =	wrdreg s22  }
0x14: {  	s13 =	sadd.s32 $0x1440, s5;
	s14 =	sadd.s32 s2, s1;
	[dreg:$0x8] =	wrdreg s23  }
0x15: {  	s16 =	sadd.s32 s8, s0;
	s0 =	simm.s32 $0x6;
	[dreg:$0x9] =	wrdreg s24  }
0x16: {  	s2 =	simm.s32 $0x14280;
	s1 =	simm.s32 $0x3;
	[dreg:$0xa] =	wrdreg s12  }
0x17: {  	s8 =	simm.s32 $0x14380;
	[dreg:$0xb] =	wrdreg s26;
	s22 =	simm.s32 $0x14100  }
0x18: {  	s23 =	simm.s32 $0x4;
	s24 =	simm.s32 $0x14200;
	s26 =	simm.s32 $0x14080  }
.LBB2_1:
0x19: {  	s10 =	rddreg [dreg:$0x6]  }
0x1a: {  	[spmem:s17], [sflag:s7] =	dma.local [hbm:s10], $0x2800  }
0x1b: {  	_ =	swait.ge [sflag:s18], $0x2800  }
0x1c: {  	[sflag:s18] =	ssyncset.done $0x0  }
0x1d: {  	[sflag:s18] =	ssyncadd.s32 $0xFFFFD800  }
0x1e: {  	s12 =	rddreg [dreg:$0x0]  }
0x1f: {  	[tilespmem:s19], [sflag:$0x1] =	stream.linear.gather [hbm4b:s12+s4], $0x4000, $0x38;
	[tilespmem:$0x18400] =	vst v63  }
0x20: {  	_ =	swait.ge [sflag:s20], $0x4000  }
0x21: {  	[sflag:s20] =	ssyncset.done $0x0  }
0x22: {  	[sflag:s20] =	ssyncadd.s32 $0xFFFFC000  }
0x23: {  	[tilespmem:s21], [sflag:$0x4] =	stream.linear.gather [hbm4b:s5+s4], $0x100, $0x38;
	[tilespmem:$0x18400] =	vst v63  }
0x24: {  	s11 =	rddreg [dreg:$0x7]  }
0x25: {  	[tilespmem:s22], [sflag:$0x5] =	stream.linear.gather [hbm4b:s11+s4], $0x100, $0x38;
	[tilespmem:$0x18400] =	vst v63  }
0x26: {  	[bflag:$0x0] =	sbarrier.arrive $0xFFFF  }
0x27: {  	_ =	swait.ge [sflag:s23], $0x100  }
0x28: {  	[sflag:s23] =	ssyncset.done $0x0  }
0x29: {  	s12 =	rddreg [dreg:$0x8];
	[sflag:s23] =	ssyncadd.s32 $0xFFFFFF00  }
0x2a: {  	[tilespmem:s24], [sflag:$0x6] =	stream.linear.gather [hbm4b:s12+s4], $0x100, $0x38;
	[tilespmem:$0x18400] =	vst v63  }
0x2b: {  	_ = 	snop  }
0x2c: {  	[spmem:s3] =	stream.indirect.scatter.add.f32 [tilespmem:s19], [sflag:$0x2], $0x80, s26, s25, $0xb8;
	[tilespmem:$0x18400] =	vst v63  }
0x2d: {  	_ =	swait.ge [sflag:s28], $0x100  }
0x2e: {  	[sflag:s28] =	ssyncset.done $0x0  }
0x2f: {  	s11 =	rddreg [dreg:$0x9];
	[sflag:s28] =	ssyncadd.s32 $0xFFFFFF00  }
0x30: {  	[tilespmem:s29], [sflag:$0x7] =	stream.linear.gather [hbm4b:s11+s4], $0x100, $0x38;
	[tilespmem:$0x18400] =	vst v63  }
0x31: {  	_ = 	snop  }
0x32: {  	[spmem:s3] =	stream.indirect.scatter.add.f32 [tilespmem:s19], [sflag:$0x3], $0x80, s30, s25, $0xb8;
	[tilespmem:$0x18400] =	vst v63  }
0x33: {  	_ =	swait.ge [sflag:s31], $0x4000  }
0x34: {  	[sflag:s31] =	ssyncset.done $0x0  }
0x35: {  	[sflag:s31] =	ssyncadd.s32 $0xFFFFC000  }
0x36: {  	_ =	swait.ge [sflag:s0], $0x100  }
0x37: {  	[sflag:s0] =	ssyncset.done $0x0  }
0x38: {  	s12 =	rddreg [dreg:$0xa];
	[sflag:s0] =	ssyncadd.s32 $0xFFFFFF00  }
0x39: {  	[tilespmem:s21], [sflag:$0x4] =	stream.linear.gather [hbm4b:s12+s4], $0x100, $0x38;
	[tilespmem:$0x18400] =	vst v63  }
0x3a: {  	_ = 	snop  }
0x3b: {  	[spmem:s3] =	stream.indirect.scatter.add.f32 [tilespmem:s19], [sflag:$0x2], $0x80, s2, s25, $0xb8;
	[tilespmem:$0x18400] =	vst v63  }
0x3c: {  	_ =	swait.ge [sflag:s1], $0x4000  }
0x3d: {  	[sflag:s1] =	ssyncset.done $0x0  }
0x3e: {  	[sflag:s1] =	ssyncadd.s32 $0xFFFFC000  }
0x3f: {  	_ =	swait.ge [sflag:s6], $0x100  }
0x40: {  	[sflag:s6] =	ssyncset.done $0x0  }
0x41: {  	s11 =	rddreg [dreg:$0xb];
	[sflag:s6] =	ssyncadd.s32 $0xFFFFFF00  }
0x42: {  	[tilespmem:s22], [sflag:$0x5] =	stream.linear.gather [hbm4b:s11+s4], $0x100, $0x38;
	[tilespmem:$0x18400] =	vst v63  }
0x43: {  	_ = 	snop  }
0x44: {  	[spmem:s3] =	stream.indirect.scatter.add.f32 [tilespmem:s19], [sflag:$0x3], $0x80, s8, s25, $0xb8;
	[tilespmem:$0x18400] =	vst v63  }
0x45: {  	_ =	swait.ge [sflag:s31], $0x4000  }
0x46: {  	[sflag:s31] =	ssyncset.done $0x0  }
0x47: {  	[sflag:s31] =	ssyncadd.s32 $0xFFFFC000  }
0x48: {  	_ =	swait.ge [sflag:s23], $0x100  }
0x49: {  	s10 =	sadd.s32 $0x0, s16;
	[sflag:s23] =	ssyncset.done $0x0  }
0x4a: {  	s11 =	sadd.s32 $0x180, s10;
	[sflag:s23] =	ssyncadd.s32 $0xFFFFFF00  }
0x4b: {  	[tilespmem:s24], [sflag:$0x6] =	stream.linear.gather [hbm4b:s11+s4], $0x100, $0x38;
	[tilespmem:$0x18400] =	vst v63  }
0x4c: {  	_ = 	snop  }
0x4d: {  	[spmem:s3] =	stream.indirect.scatter.add.f32 [tilespmem:s19], [sflag:$0x2], $0x80, s26, s25, $0xb8;
	[tilespmem:$0x18400] =	vst v63  }
0x4e: {  	_ =	swait.ge [sflag:s1], $0x4000  }
0x4f: {  	[sflag:s1] =	ssyncset.done $0x0  }
0x50: {  	[sflag:s1] =	ssyncadd.s32 $0xFFFFC000  }
0x51: {  	_ =	swait.ge [sflag:s28], $0x100  }
0x52: {  	[sflag:s28] =	ssyncset.done $0x0  }
0x53: {  	s12 =	sadd.s32 $0x1C0, s10;
	[sflag:s28] =	ssyncadd.s32 $0xFFFFFF00  }
0x54: {  	[tilespmem:s29], [sflag:$0x7] =	stream.linear.gather [hbm4b:s12+s4], $0x100, $0x38;
	[tilespmem:$0x18400] =	vst v63  }
0x55: {  	_ = 	snop  }
0x56: {  	[spmem:s3] =	stream.indirect.scatter.add.f32 [tilespmem:s19], [sflag:$0x3], $0x80, s30, s25, $0xb8;
	[tilespmem:$0x18400] =	vst v63  }
0x57: {  	_ =	swait.ge [sflag:s31], $0x4000  }
0x58: {  	[sflag:s31] =	ssyncset.done $0x0  }
0x59: {  	[sflag:s31] =	ssyncadd.s32 $0xFFFFC000  }
0x5a: {  	_ =	swait.ge [sflag:s0], $0x100  }
0x5b: {  	[sflag:s0] =	ssyncset.done $0x0  }
0x5c: {  	s12 =	sadd.s32 $0x200, s10;
	[sflag:s0] =	ssyncadd.s32 $0xFFFFFF00  }
0x5d: {  	[tilespmem:s21], [sflag:$0x4] =	stream.linear.gather [hbm4b:s12+s4], $0x100, $0x38;
	[tilespmem:$0x18400] =	vst v63  }
0x5e: {  	_ = 	snop  }
0x5f: {  	[spmem:s3] =	stream.indirect.scatter.add.f32 [tilespmem:s19], [sflag:$0x2], $0x80, s2, s25, $0xb8;
	[tilespmem:$0x18400] =	vst v63  }
0x60: {  	_ =	swait.ge [sflag:s1], $0x4000  }
0x61: {  	[sflag:s1] =	ssyncset.done $0x0  }
0x62: {  	[sflag:s1] =	ssyncadd.s32 $0xFFFFC000  }
0x63: {  	_ =	swait.ge [sflag:s6], $0x100  }
0x64: {  	[sflag:s6] =	ssyncset.done $0x0  }
0x65: {  	s10 =	sadd.s32 $0x240, s10;
	[sflag:s6] =	ssyncadd.s32 $0xFFFFFF00  }
0x66: {  	[tilespmem:s22], [sflag:$0x5] =	stream.linear.gather [hbm4b:s10+s4], $0x100, $0x38;
	[tilespmem:$0x18400] =	vst v63  }
0x67: {  	s10 =	simm.s32 $0x100  }
.LBB2_2:
0x68: {  	[spmem:s3] =	stream.indirect.scatter.add.f32 [tilespmem:s19], [sflag:$0x3], $0x80, s8, s25, $0xb8;
	[tilespmem:$0x18400] =	vst v63  }
0x69: {  	s11 =	smov.u32 s10  }
0x6a: {  	p0 =	sne.s32 s10, $0x1200;
	s10 =	sadd.s32 $0x100, s10;
	_ =	swait.ge [sflag:s31], $0x4000  }
0x6b: {  	[sflag:s31] =	ssyncset.done $0x0  }
0x6c: {  	[sflag:s31] =	ssyncadd.s32 $0xFFFFC000  }
0x6d: {  	_ =	swait.ge [sflag:s23], $0x100  }
0x6e: {  	s11 =	sadd.s32 s11, s16;
	[sflag:s23] =	ssyncset.done $0x0  }
0x6f: {  	s12 =	sadd.s32 $0x180, s11;
	[sflag:s23] =	ssyncadd.s32 $0xFFFFFF00  }
0x70: {  	[tilespmem:s24], [sflag:$0x6] =	stream.linear.gather [hbm4b:s12+s4], $0x100, $0x38;
	[tilespmem:$0x18400] =	vst v63  }
0x71: {  	_ = 	snop  }
0x72: {  	[spmem:s3] =	stream.indirect.scatter.add.f32 [tilespmem:s19], [sflag:$0x2], $0x80, s26, s25, $0xb8;
	[tilespmem:$0x18400] =	vst v63  }
0x73: {  	_ =	swait.ge [sflag:s1], $0x4000  }
0x74: {  	[sflag:s1] =	ssyncset.done $0x0  }
0x75: {  	[sflag:s1] =	ssyncadd.s32 $0xFFFFC000  }
0x76: {  	_ =	swait.ge [sflag:s28], $0x100  }
0x77: {  	[sflag:s28] =	ssyncset.done $0x0  }
0x78: {  	s12 =	sadd.s32 $0x1C0, s11;
	[sflag:s28] =	ssyncadd.s32 $0xFFFFFF00  }
0x79: {  	[tilespmem:s29], [sflag:$0x7] =	stream.linear.gather [hbm4b:s12+s4], $0x100, $0x38;
	[tilespmem:$0x18400] =	vst v63  }
0x7a: {  	_ = 	snop  }
0x7b: {  	[spmem:s3] =	stream.indirect.scatter.add.f32 [tilespmem:s19], [sflag:$0x3], $0x80, s30, s25, $0xb8;
	[tilespmem:$0x18400] =	vst v63  }
0x7c: {  	_ =	swait.ge [sflag:s31], $0x4000  }
0x7d: {  	[sflag:s31] =	ssyncset.done $0x0  }
0x7e: {  	[sflag:s31] =	ssyncadd.s32 $0xFFFFC000  }
0x7f: {  	_ =	swait.ge [sflag:s0], $0x100  }
0x80: {  	[sflag:s0] =	ssyncset.done $0x0  }
0x81: {  	s12 =	sadd.s32 $0x200, s11;
	[sflag:s0] =	ssyncadd.s32 $0xFFFFFF00  }
0x82: {  	[tilespmem:s21], [sflag:$0x4] =	stream.linear.gather [hbm4b:s12+s4], $0x100, $0x38;
	[tilespmem:$0x18400] =	vst v63  }
0x83: {  	_ = 	snop  }
0x84: {  	[spmem:s3] =	stream.indirect.scatter.add.f32 [tilespmem:s19], [sflag:$0x2], $0x80, s2, s25, $0xb8;
	[tilespmem:$0x18400] =	vst v63  }
0x85: {  	_ =	swait.ge [sflag:s1], $0x4000  }
0x86: {  	[sflag:s1] =	ssyncset.done $0x0  }
.Ltmp0:
0x87: {  	[sflag:s1] =	ssyncadd.s32 $0xFFFFC000;
	(pc) =	sbr.rel @p0 .LBB2_2-.Ltmp0, $4  }
0x88: {  	_ =	swait.ge [sflag:s6], $0x100  }
0x89: {  	[sflag:s6] =	ssyncset.done $0x0  }
0x8a: {  	s11 =	sadd.s32 $0x240, s11;
	[sflag:s6] =	ssyncadd.s32 $0xFFFFFF00  }
0x8b: {  	[tilespmem:s22], [sflag:$0x5] =	stream.linear.gather [hbm4b:s11+s4], $0x100, $0x38;
	[tilespmem:$0x18400] =	vst v63  }
0x8c: {  	[spmem:s3] =	stream.indirect.scatter.add.f32 [tilespmem:s19], [sflag:$0x3], $0x80, s8, s25, $0xb8;
	[tilespmem:$0x18400] =	vst v63  }
0x8d: {  	_ =	swait.ge [sflag:s31], $0x4000  }
0x8e: {  	[sflag:s31] =	ssyncset.done $0x0  }
0x8f: {  	[sflag:s31] =	ssyncadd.s32 $0xFFFFC000  }
0x90: {  	_ =	swait.ge [sflag:s23], $0x100  }
0x91: {  	[sflag:s23] =	ssyncset.done $0x0  }
0x92: {  	[sflag:s23] =	ssyncadd.s32 $0xFFFFFF00  }
0x93: {  	[tilespmem:s24], [sflag:$0x6] =	stream.linear.gather [hbm4b:s13+s4], $0x100, $0x38;
	[tilespmem:$0x18400] =	vst v63  }
0x94: {  	_ = 	snop  }
0x95: {  	[spmem:s3] =	stream.indirect.scatter.add.f32 [tilespmem:s19], [sflag:$0x2], $0x80, s26, s25, $0xb8;
	[tilespmem:$0x18400] =	vst v63  }
0x96: {  	_ =	swait.ge [sflag:s1], $0x4000  }
0x97: {  	[sflag:s1] =	ssyncset.done $0x0  }
0x98: {  	[sflag:s1] =	ssyncadd.s32 $0xFFFFC000  }
0x99: {  	_ =	swait.ge [sflag:s28], $0x100  }
0x9a: {  	[sflag:s28] =	ssyncset.done $0x0  }
0x9b: {  	[sflag:s28] =	ssyncadd.s32 $0xFFFFFF00  }
0x9c: {  	[tilespmem:s29], [sflag:$0x7] =	stream.linear.gather [hbm4b:s13+s4], $0x100, $0x38;
	[tilespmem:$0x18400] =	vst v63  }
0x9d: {  	_ = 	snop  }
0x9e: {  	[spmem:s3] =	stream.indirect.scatter.add.f32 [tilespmem:s19], [sflag:$0x3], $0x80, s30, s25, $0xb8;
	[tilespmem:$0x18400] =	vst v63  }
0x9f: {  	_ =	swait.ge [sflag:s31], $0x4000  }
0xa0: {  	[sflag:s31] =	ssyncset.done $0x0  }
0xa1: {  	[sflag:s31] =	ssyncadd.s32 $0xFFFFC000  }
0xa2: {  	_ =	swait.ge [sflag:s1], $0x4000  }
0xa3: {  	[sflag:s1] =	ssyncset.done $0x0  }
0xa4: {  	[sflag:s1] =	ssyncadd.s32 $0xFFFFC000  }
0xa5: {  	_ =	swait.ge [sflag:s0], $0x100  }
0xa6: {  	[sflag:s0] =	ssyncset.done $0x0  }
0xa7: {  	[sflag:s0] =	ssyncadd.s32 $0xFFFFFF00  }
0xa8: {  	_ =	swait.ge [sflag:s6], $0x100  }
0xa9: {  	s9 =	sadd.s32 $0x1, s9;
	[sflag:s6] =	ssyncset.done $0x0  }
0xaa: {  	p0 =	sne.s32 s9, s15;
	[sflag:s6] =	ssyncadd.s32 $0xFFFFFF00  }
.Ltmp1:
0xab: {  	[bflag:$0x0] =	sbarrier.arrive $0xFFFF;
	(pc) =	sbr.rel @p0 .LBB2_1-.Ltmp1, $4  }
0xac: {  	[hbm:s14], [sflag:s7] =	dma.local [spmem:s17], $0x2800  }
0xad: {  	_ =	swait.ge [sflag:s18], $0x2800  }
0xae: {  	[sflag:s18] =	ssyncset.done $0x0  }
0xaf: {  	[sflag:s18] =	ssyncadd.s32 $0xFFFFD800  }
0xb0: {  	_ =	sfence.sel $0x180000  }
0xb1: {  	[bflag:$0x0] =	sbarrier.arrive $0xFFFF  }
0xb2: {  	_ =	strace $0x90000047  }
0xb3: {  	s0 =	stileid.u32;
	[bflag:$0x2] =	sbarrier.arrive $0xFFFF  }
0xb4: {  	p0 =	sne.s32 s0, $0x0;
	s0 =	rddreg [dreg:$0x5]  }
0xb5: {  	s0 =	sadd.s32 @!p0 $0x100000, s0  }
0xb6: {  	[sflag:s0] =	ssyncadd.tile.s32 @!p0 $0x1;
	_ =	shalt  }
.Lfunc_end2:
_tile_overlayer_lowered:
.L_overlay_start_2:
0xb7: {  	(tag) =	ssettag $0x2  }
0xb8: {  	s0 =	rddreg [dreg:$0x0];
	s2 =	stileid.u32  }
0xb9: {  	s1 =	rddreg [dreg:$0x1];
	p0 =	sne.s32 s2, $0x0  }
0xba: {  	s3 =	rddreg [dreg:$0x2];
	[bflag:$0x3] =	sbarrier.arrive $0xFFFF;
	s2 =	simm.s32 @!p0 $0x1C08  }
0xbb: {  	[timem:s3], [sflag:s2] =	dma.local @!p0 [hbm:s0], s1  }
0xbc: {  	s0 =	simm.s32 @!p0 $0x8  }
0xbd: {  	_ =	swait.ge @!p0 [sflag:s0], s1  }
0xbe: {  	s1 =	ssub.s32 @!p0 $0x0, s1;
	[sflag:s0] =	ssyncset.done @!p0 $0x0  }
0xbf: {  	[sflag:s0] =	ssyncadd.s32 @!p0 s1  }
0xc0: {  	[bflag:$0x3] =	sbarrier.arrive $0xFFFF  }
0xc1: {  	_ =	shalt  }

</sc_bundles>
